<compile_context>
chip_gen: v7x
topology: tpu7x:2x2x1
jax: 0.10.2.dev20260603
libtpu: 0.0.44.dev20260713+nightly
codegen_flags: <defaults>
</compile_context>

<pallas_src>
import math

import jax
import jax.numpy as jnp
from jax import lax
from jax.experimental import pallas as pl
from jax.experimental.pallas import tpu as pltpu
from jax.experimental.pallas import tpu_sc as plsc

_SNR_W = 0.5
_ENERGY_W = 0.3
_RECENCY_C = 0.2 * math.exp(-0.1)

_N_TOTAL = 4 * 32 * 128 * 128
_NC = 2
_NS = 16
_NW = _NC * _NS
_L = 16
_CHUNK = _N_TOTAL // _NW
_NV = _CHUNK // _L

_mesh = plsc.VectorSubcoreMesh(core_axis_name="c", subcore_axis_name="s")


def _worker_id():
    return lax.axis_index("s") * _NC + lax.axis_index("c")


def _reduce_body(x_hbm, part_hbm, buf, part):
    wid = _worker_id()
    pltpu.sync_copy(x_hbm.at[pl.ds(wid * _CHUNK, _CHUNK)], buf)

    zero = jnp.zeros((_L,), jnp.float32)

    def body(i, carry):
        s, ss, m = carry
        v = buf[pl.ds(i * _L, _L)]
        return s + v, ss + v * v, jnp.maximum(m, jnp.abs(v))

    s, ss, m = lax.fori_loop(0, _NV, body, (zero, zero, zero), unroll=16)
    part[0] = s
    part[1] = ss
    part[2] = m
    pltpu.sync_copy(part, part_hbm.at[wid])


def _lane_all_reduce(v, op):
    lanes = lax.iota(jnp.int32, _L)
    dnums = lax.GatherDimensionNumbers(
        offset_dims=(), collapsed_slice_dims=(0,), start_index_map=(0,)
    )
    for k in (8, 4, 2, 1):
        idx = lax.bitwise_xor(lanes, jnp.int32(k))
        perm = lax.gather(
            v,
            idx.reshape(_L, 1),
            dnums,
            (1,),
            mode=lax.GatherScatterMode.PROMISE_IN_BOUNDS,
        )
        v = op(v, perm)
    return v


def _sqrt_vec(a):
    ai = lax.bitcast_convert_type(a, jnp.int32)
    yi = lax.shift_right_logical(ai, 1) + jnp.int32(0x1FBD1DF5)
    y = lax.bitcast_convert_type(yi, jnp.float32)
    for _ in range(4):
        y = 0.5 * (y + a / y)
    return y


def _score_body(x_hbm, part_hbm, out_hbm, buf, parts):
    wid = _worker_id()
    pltpu.sync_copy(x_hbm.at[pl.ds(wid * _CHUNK, _CHUNK)], buf)
    pltpu.sync_copy(part_hbm, parts)

    zero = jnp.zeros((_L,), jnp.float32)
    s_v, ss_v, m_v = zero, zero, zero
    for w in range(_NW):
        s_v = s_v + parts[w, 0]
        ss_v = ss_v + parts[w, 1]
        m_v = jnp.maximum(m_v, parts[w, 2])

    n = jnp.float32(_N_TOTAL)
    total_s = _lane_all_reduce(s_v, jnp.add)
    total_ss = _lane_all_reduce(ss_v, jnp.add)
    max_abs = _lane_all_reduce(m_v, jnp.maximum)
    var = (total_ss - total_s * total_s / n) / (n - 1.0)
    sigma = _sqrt_vec(var)
    inv_sig = 1.0 / (sigma + 1e-6)
    k_e = _ENERGY_W / (max_abs * max_abs + 1e-6)

    def body(i, _):
        v = buf[pl.ds(i * _L, _L)]
        e = jnp.exp(2.0 - jnp.abs(v) * inv_sig)
        buf[pl.ds(i * _L, _L)] = _SNR_W / (1.0 + e) + k_e * (v * v) + _RECENCY_C
        return 0

    lax.fori_loop(0, _NV, body, 0, unroll=16)
    pltpu.sync_copy(buf, out_hbm.at[pl.ds(wid * _CHUNK, _CHUNK)])


def kernel(weights):
    x = weights.reshape(_N_TOTAL)
    partials = pl.kernel(
        _reduce_body,
        mesh=_mesh,
        out_type=jax.ShapeDtypeStruct((_NW, 3, _L), jnp.float32),
        scratch_types=[
            pltpu.VMEM((_CHUNK,), jnp.float32),
            pltpu.VMEM((3, _L), jnp.float32),
        ],
    )(x)
    out = pl.kernel(
        _score_body,
        mesh=_mesh,
        out_type=jax.ShapeDtypeStruct((_N_TOTAL,), jnp.float32),
        scratch_types=[
            pltpu.VMEM((_CHUNK,), jnp.float32),
            pltpu.VMEM((_NW, 3, _L), jnp.float32),
        ],
    )(x, partials)
    return out.reshape(weights.shape)

# --- scband reference (transcript-rebuilt; emitter-appended) ---
"""Pipeline reference for scband-memory-importance-estimator-25108378812945 (READ-ONLY COPY).

The authoritative reference and input builder live on the scoring server;
editing this copy changes nothing except your own understanding.
"""

import jax, jax.numpy as jnp
import numpy as np

SNR_W = 0.5
ENERGY_W = 0.3
RECENCY_W = 0.2
# weights are normalized in __init__ (already sum to 1.0 here)

def setup_inputs(seed: int = 0) -> dict:
    key = jax.random.key(seed)
    weights = jax.random.normal(key, (4, 32, 128, 128), dtype=jnp.float32)
    return {"weights": weights}

def reference(weights):
    # First forward call: snr is None, no _prev_weights yet,
    # update_timestamps are zeros and current_time becomes 1.
    # torch.std is unbiased (ddof=1)
    sigma_noise = jnp.std(weights, ddof=1) + 1e-06
    snr = jnp.abs(weights) / sigma_noise
    snr_norm = jax.nn.sigmoid(snr - 2.0)
    energy = jnp.abs(weights) ** 2
    energy_norm = energy / (energy.max() + 1e-06)
    # time_since_update = current_time(1) - timestamps(0) = 1 everywhere
    time_since_update = jnp.ones_like(weights)
    recency = jnp.exp(-0.1 * time_since_update)
    importance = SNR_W * snr_norm + ENERGY_W * energy_norm + RECENCY_W * recency
    return importance

if __name__ == "__main__":
    import jax
    _d = setup_inputs()
    print(jax.jit(kernel)(*tuple(_d.values())))

</pallas_src>

<mosaic_0001>
#map = affine_map<(d0, d1) -> (0)>
#map1 = affine_map<(d0, d1) -> (0, 0, 0)>
module attributes {stable_mosaic.version = 14 : i64} {
  func.func @_reduce_body(%arg0: i32, %arg1: i32, %arg2: memref<2097152xf32, #tpu.memory_space<hbm>>, %arg3: memref<32x3x16xf32, #tpu.memory_space<hbm>>, %arg4: memref<65536xf32, #tpu.memory_space<vmem>>, %arg5: memref<3x16xf32, #tpu.memory_space<vmem>>) attributes {dimension_semantics = [#tpu.dimension_semantics<core_parallel>, #tpu.dimension_semantics<subcore_parallel>], iteration_bounds = array<i64: 2, 16>, scalar_prefetch = 0 : i64, scratch_operands = 2 : i64, tpu.core_type = #tpu.core_type<sc_vector_subcore>, window_params = [{transform_indices = #map}, {transform_indices = #map1}]} {
    %mul3A = arith.constant 2 : i32
    %mul3A_0 = arith.muli %arg1, %mul3A : i32
    %add3A = arith.addi %mul3A_0, %arg0 : i32
    %mul3A_1 = arith.constant 65536 : i32
    %mul3A_2 = arith.muli %add3A, %mul3A_1 : i32
    "tpu.region"() ({
      %run_scoped3A = tpu.sem_alloc : memref<!tpu.dma_semaphore, #tpu.memory_space<semaphore_mem>>
      %dma_start3A = tpu.memref_slice %arg2[%mul3A_2] : memref<2097152xf32, #tpu.memory_space<hbm>> -> memref<65536xf32, #tpu.memory_space<hbm>>
      %dma_start3A_26 = tpu.memref_slice %arg2[%mul3A_2] : memref<2097152xf32, #tpu.memory_space<hbm>> -> memref<65536xf32, #tpu.memory_space<hbm>>
      tpu.enqueue_dma source(%dma_start3A_26 : memref<65536xf32, #tpu.memory_space<hbm>>) target(%arg4 : memref<65536xf32, #tpu.memory_space<vmem>>) target_semaphore(%run_scoped3A : memref<!tpu.dma_semaphore, #tpu.memory_space<semaphore_mem>>)
      %dma_wait3A = tpu.memref_slice %arg2[%mul3A_2] : memref<2097152xf32, #tpu.memory_space<hbm>> -> memref<65536xf32, #tpu.memory_space<hbm>>
      %dma_wait3A_27 = tpu.memref_slice %arg2[%mul3A_2] : memref<2097152xf32, #tpu.memory_space<hbm>> -> memref<65536xf32, #tpu.memory_space<hbm>>
      tpu.wait_dma2 semaphore(%run_scoped3A : memref<!tpu.dma_semaphore, #tpu.memory_space<semaphore_mem>>) src(%dma_wait3A_27 : memref<65536xf32, #tpu.memory_space<hbm>>) dst(%arg4 : memref<65536xf32, #tpu.memory_space<vmem>>)
      tpu.yield
    }) : () -> ()
    %broadcast_in_dim3A = arith.constant 0.000000e+00 : f32
    %broadcast_in_dim3A_3 = vector.broadcast %broadcast_in_dim3A : f32 to vector<16xf32>
    %scan3A = arith.constant 0 : i32
    %scan3A_4 = arith.constant 4096 : i32
    %scan3A_5 = arith.addi %scan3A, %scan3A_4 : i32
    %scan3A_6 = arith.constant 16 : i32
    %scan3A_7:3 = scf.for %scan3A_26 = %scan3A to %scan3A_5 step %scan3A_6 iter_args(%scan3A_27 = %broadcast_in_dim3A_3, %scan3A_28 = %broadcast_in_dim3A_3, %scan3A_29 = %broadcast_in_dim3A_3) -> (vector<16xf32>, vector<16xf32>, vector<16xf32>)  : i32 {
      %mul3A_30 = arith.constant 16 : i32
      %mul3A_31 = arith.muli %scan3A_26, %mul3A_30 : i32
      %get3A = arith.index_cast %mul3A_31 : i32 to index
      %get3A_32 = tpu.vector_load %arg4[%get3A] {strides = array<i32>} : memref<65536xf32, #tpu.memory_space<vmem>>, vector<16xf32>,
      %get3A_33 = vector.shape_cast %get3A_32 : vector<16xf32> to vector<16xf32>
      %add3A_34 = arith.addf %scan3A_27, %get3A_33 : vector<16xf32>
      %mul3A_35 = arith.mulf %get3A_33, %get3A_33 : vector<16xf32>
      %add3A_36 = arith.addf %scan3A_28, %mul3A_35 : vector<16xf32>
      %abs3A = math.absf %get3A_33 : vector<16xf32>
      %max3A = arith.maximumf %scan3A_29, %abs3A : vector<16xf32>
      %scan3A_37 = arith.constant 1 : i32
      %scan3A_38 = arith.addi %scan3A_26, %scan3A_37 : i32
      %mul3A_39 = arith.constant 16 : i32
      %mul3A_40 = arith.muli %scan3A_38, %mul3A_39 : i32
      %get3A_41 = arith.index_cast %mul3A_40 : i32 to index
      %get3A_42 = tpu.vector_load %arg4[%get3A_41] {strides = array<i32>} : memref<65536xf32, #tpu.memory_space<vmem>>, vector<16xf32>,
      %get3A_43 = vector.shape_cast %get3A_42 : vector<16xf32> to vector<16xf32>
      %add3A_44 = arith.addf %add3A_34, %get3A_43 : vector<16xf32>
      %mul3A_45 = arith.mulf %get3A_43, %get3A_43 : vector<16xf32>
      %add3A_46 = arith.addf %add3A_36, %mul3A_45 : vector<16xf32>
      %abs3A_47 = math.absf %get3A_43 : vector<16xf32>
      %max3A_48 = arith.maximumf %max3A, %abs3A_47 : vector<16xf32>
      %scan3A_49 = arith.constant 2 : i32
      %scan3A_50 = arith.addi %scan3A_26, %scan3A_49 : i32
      %mul3A_51 = arith.constant 16 : i32
      %mul3A_52 = arith.muli %scan3A_50, %mul3A_51 : i32
      %get3A_53 = arith.index_cast %mul3A_52 : i32 to index
      %get3A_54 = tpu.vector_load %arg4[%get3A_53] {strides = array<i32>} : memref<65536xf32, #tpu.memory_space<vmem>>, vector<16xf32>,
      %get3A_55 = vector.shape_cast %get3A_54 : vector<16xf32> to vector<16xf32>
      %add3A_56 = arith.addf %add3A_44, %get3A_55 : vector<16xf32>
      %mul3A_57 = arith.mulf %get3A_55, %get3A_55 : vector<16xf32>
      %add3A_58 = arith.addf %add3A_46, %mul3A_57 : vector<16xf32>
      %abs3A_59 = math.absf %get3A_55 : vector<16xf32>
      %max3A_60 = arith.maximumf %max3A_48, %abs3A_59 : vector<16xf32>
      %scan3A_61 = arith.constant 3 : i32
      %scan3A_62 = arith.addi %scan3A_26, %scan3A_61 : i32
      %mul3A_63 = arith.constant 16 : i32
      %mul3A_64 = arith.muli %scan3A_62, %mul3A_63 : i32
      %get3A_65 = arith.index_cast %mul3A_64 : i32 to index
      %get3A_66 = tpu.vector_load %arg4[%get3A_65] {strides = array<i32>} : memref<65536xf32, #tpu.memory_space<vmem>>, vector<16xf32>,
      %get3A_67 = vector.shape_cast %get3A_66 : vector<16xf32> to vector<16xf32>
      %add3A_68 = arith.addf %add3A_56, %get3A_67 : vector<16xf32>
      %mul3A_69 = arith.mulf %get3A_67, %get3A_67 : vector<16xf32>
      %add3A_70 = arith.addf %add3A_58, %mul3A_69 : vector<16xf32>
      %abs3A_71 = math.absf %get3A_67 : vector<16xf32>
      %max3A_72 = arith.maximumf %max3A_60, %abs3A_71 : vector<16xf32>
      %scan3A_73 = arith.constant 4 : i32
      %scan3A_74 = arith.addi %scan3A_26, %scan3A_73 : i32
      %mul3A_75 = arith.constant 16 : i32
      %mul3A_76 = arith.muli %scan3A_74, %mul3A_75 : i32
      %get3A_77 = arith.index_cast %mul3A_76 : i32 to index
      %get3A_78 = tpu.vector_load %arg4[%get3A_77] {strides = array<i32>} : memref<65536xf32, #tpu.memory_space<vmem>>, vector<16xf32>,
      %get3A_79 = vector.shape_cast %get3A_78 : vector<16xf32> to vector<16xf32>
      %add3A_80 = arith.addf %add3A_68, %get3A_79 : vector<16xf32>
      %mul3A_81 = arith.mulf %get3A_79, %get3A_79 : vector<16xf32>
      %add3A_82 = arith.addf %add3A_70, %mul3A_81 : vector<16xf32>
      %abs3A_83 = math.absf %get3A_79 : vector<16xf32>
      %max3A_84 = arith.maximumf %max3A_72, %abs3A_83 : vector<16xf32>
      %scan3A_85 = arith.constant 5 : i32
      %scan3A_86 = arith.addi %scan3A_26, %scan3A_85 : i32
      %mul3A_87 = arith.constant 16 : i32
      %mul3A_88 = arith.muli %scan3A_86, %mul3A_87 : i32
      %get3A_89 = arith.index_cast %mul3A_88 : i32 to index
      %get3A_90 = tpu.vector_load %arg4[%get3A_89] {strides = array<i32>} : memref<65536xf32, #tpu.memory_space<vmem>>, vector<16xf32>,
      %get3A_91 = vector.shape_cast %get3A_90 : vector<16xf32> to vector<16xf32>
      %add3A_92 = arith.addf %add3A_80, %get3A_91 : vector<16xf32>
      %mul3A_93 = arith.mulf %get3A_91, %get3A_91 : vector<16xf32>
      %add3A_94 = arith.addf %add3A_82, %mul3A_93 : vector<16xf32>
      %abs3A_95 = math.absf %get3A_91 : vector<16xf32>
      %max3A_96 = arith.maximumf %max3A_84, %abs3A_95 : vector<16xf32>
      %scan3A_97 = arith.constant 6 : i32
      %scan3A_98 = arith.addi %scan3A_26, %scan3A_97 : i32
      %mul3A_99 = arith.constant 16 : i32
      %mul3A_100 = arith.muli %scan3A_98, %mul3A_99 : i32
      %get3A_101 = arith.index_cast %mul3A_100 : i32 to index
      %get3A_102 = tpu.vector_load %arg4[%get3A_101] {strides = array<i32>} : memref<65536xf32, #tpu.memory_space<vmem>>, vector<16xf32>,
      %get3A_103 = vector.shape_cast %get3A_102 : vector<16xf32> to vector<16xf32>
      %add3A_104 = arith.addf %add3A_92, %get3A_103 : vector<16xf32>
      %mul3A_105 = arith.mulf %get3A_103, %get3A_103 : vector<16xf32>
      %add3A_106 = arith.addf %add3A_94, %mul3A_105 : vector<16xf32>
      %abs3A_107 = math.absf %get3A_103 : vector<16xf32>
      %max3A_108 = arith.maximumf %max3A_96, %abs3A_107 : vector<16xf32>
      %scan3A_109 = arith.constant 7 : i32
      %scan3A_110 = arith.addi %scan3A_26, %scan3A_109 : i32
      %mul3A_111 = arith.constant 16 : i32
      %mul3A_112 = arith.muli %scan3A_110, %mul3A_111 : i32
      %get3A_113 = arith.index_cast %mul3A_112 : i32 to index
      %get3A_114 = tpu.vector_load %arg4[%get3A_113] {strides = array<i32>} : memref<65536xf32, #tpu.memory_space<vmem>>, vector<16xf32>,
      %get3A_115 = vector.shape_cast %get3A_114 : vector<16xf32> to vector<16xf32>
      %add3A_116 = arith.addf %add3A_104, %get3A_115 : vector<16xf32>
      %mul3A_117 = arith.mulf %get3A_115, %get3A_115 : vector<16xf32>
      %add3A_118 = arith.addf %add3A_106, %mul3A_117 : vector<16xf32>
      %abs3A_119 = math.absf %get3A_115 : vector<16xf32>
      %max3A_120 = arith.maximumf %max3A_108, %abs3A_119 : vector<16xf32>
      %scan3A_121 = arith.constant 8 : i32
      %scan3A_122 = arith.addi %scan3A_26, %scan3A_121 : i32
      %mul3A_123 = arith.constant 16 : i32
      %mul3A_124 = arith.muli %scan3A_122, %mul3A_123 : i32
      %get3A_125 = arith.index_cast %mul3A_124 : i32 to index
      %get3A_126 = tpu.vector_load %arg4[%get3A_125] {strides = array<i32>} : memref<65536xf32, #tpu.memory_space<vmem>>, vector<16xf32>,
      %get3A_127 = vector.shape_cast %get3A_126 : vector<16xf32> to vector<16xf32>
      %add3A_128 = arith.addf %add3A_116, %get3A_127 : vector<16xf32>
      %mul3A_129 = arith.mulf %get3A_127, %get3A_127 : vector<16xf32>
      %add3A_130 = arith.addf %add3A_118, %mul3A_129 : vector<16xf32>
      %abs3A_131 = math.absf %get3A_127 : vector<16xf32>
      %max3A_132 = arith.maximumf %max3A_120, %abs3A_131 : vector<16xf32>
      %scan3A_133 = arith.constant 9 : i32
      %scan3A_134 = arith.addi %scan3A_26, %scan3A_133 : i32
      %mul3A_135 = arith.constant 16 : i32
      %mul3A_136 = arith.muli %scan3A_134, %mul3A_135 : i32
      %get3A_137 = arith.index_cast %mul3A_136 : i32 to index
      %get3A_138 = tpu.vector_load %arg4[%get3A_137] {strides = array<i32>} : memref<65536xf32, #tpu.memory_space<vmem>>, vector<16xf32>,
      %get3A_139 = vector.shape_cast %get3A_138 : vector<16xf32> to vector<16xf32>
      %add3A_140 = arith.addf %add3A_128, %get3A_139 : vector<16xf32>
      %mul3A_141 = arith.mulf %get3A_139, %get3A_139 : vector<16xf32>
      %add3A_142 = arith.addf %add3A_130, %mul3A_141 : vector<16xf32>
      %abs3A_143 = math.absf %get3A_139 : vector<16xf32>
      %max3A_144 = arith.maximumf %max3A_132, %abs3A_143 : vector<16xf32>
      %scan3A_145 = arith.constant 10 : i32
      %scan3A_146 = arith.addi %scan3A_26, %scan3A_145 : i32
      %mul3A_147 = arith.constant 16 : i32
      %mul3A_148 = arith.muli %scan3A_146, %mul3A_147 : i32
      %get3A_149 = arith.index_cast %mul3A_148 : i32 to index
      %get3A_150 = tpu.vector_load %arg4[%get3A_149] {strides = array<i32>} : memref<65536xf32, #tpu.memory_space<vmem>>, vector<16xf32>,
      %get3A_151 = vector.shape_cast %get3A_150 : vector<16xf32> to vector<16xf32>
      %add3A_152 = arith.addf %add3A_140, %get3A_151 : vector<16xf32>
      %mul3A_153 = arith.mulf %get3A_151, %get3A_151 : vector<16xf32>
      %add3A_154 = arith.addf %add3A_142, %mul3A_153 : vector<16xf32>
      %abs3A_155 = math.absf %get3A_151 : vector<16xf32>
      %max3A_156 = arith.maximumf %max3A_144, %abs3A_155 : vector<16xf32>
      %scan3A_157 = arith.constant 11 : i32
      %scan3A_158 = arith.addi %scan3A_26, %scan3A_157 : i32
      %mul3A_159 = arith.constant 16 : i32
      %mul3A_160 = arith.muli %scan3A_158, %mul3A_159 : i32
      %get3A_161 = arith.index_cast %mul3A_160 : i32 to index
      %get3A_162 = tpu.vector_load %arg4[%get3A_161] {strides = array<i32>} : memref<65536xf32, #tpu.memory_space<vmem>>, vector<16xf32>,
      %get3A_163 = vector.shape_cast %get3A_162 : vector<16xf32> to vector<16xf32>
      %add3A_164 = arith.addf %add3A_152, %get3A_163 : vector<16xf32>
      %mul3A_165 = arith.mulf %get3A_163, %get3A_163 : vector<16xf32>
      %add3A_166 = arith.addf %add3A_154, %mul3A_165 : vector<16xf32>
      %abs3A_167 = math.absf %get3A_163 : vector<16xf32>
      %max3A_168 = arith.maximumf %max3A_156, %abs3A_167 : vector<16xf32>
      %scan3A_169 = arith.constant 12 : i32
      %scan3A_170 = arith.addi %scan3A_26, %scan3A_169 : i32
      %mul3A_171 = arith.constant 16 : i32
      %mul3A_172 = arith.muli %scan3A_170, %mul3A_171 : i32
      %get3A_173 = arith.index_cast %mul3A_172 : i32 to index
      %get3A_174 = tpu.vector_load %arg4[%get3A_173] {strides = array<i32>} : memref<65536xf32, #tpu.memory_space<vmem>>, vector<16xf32>,
      %get3A_175 = vector.shape_cast %get3A_174 : vector<16xf32> to vector<16xf32>
      %add3A_176 = arith.addf %add3A_164, %get3A_175 : vector<16xf32>
      %mul3A_177 = arith.mulf %get3A_175, %get3A_175 : vector<16xf32>
      %add3A_178 = arith.addf %add3A_166, %mul3A_177 : vector<16xf32>
      %abs3A_179 = math.absf %get3A_175 : vector<16xf32>
      %max3A_180 = arith.maximumf %max3A_168, %abs3A_179 : vector<16xf32>
      %scan3A_181 = arith.constant 13 : i32
      %scan3A_182 = arith.addi %scan3A_26, %scan3A_181 : i32
      %mul3A_183 = arith.constant 16 : i32
      %mul3A_184 = arith.muli %scan3A_182, %mul3A_183 : i32
      %get3A_185 = arith.index_cast %mul3A_184 : i32 to index
      %get3A_186 = tpu.vector_load %arg4[%get3A_185] {strides = array<i32>} : memref<65536xf32, #tpu.memory_space<vmem>>, vector<16xf32>,
      %get3A_187 = vector.shape_cast %get3A_186 : vector<16xf32> to vector<16xf32>
      %add3A_188 = arith.addf %add3A_176, %get3A_187 : vector<16xf32>
      %mul3A_189 = arith.mulf %get3A_187, %get3A_187 : vector<16xf32>
      %add3A_190 = arith.addf %add3A_178, %mul3A_189 : vector<16xf32>
      %abs3A_191 = math.absf %get3A_187 : vector<16xf32>
      %max3A_192 = arith.maximumf %max3A_180, %abs3A_191 : vector<16xf32>
      %scan3A_193 = arith.constant 14 : i32
      %scan3A_194 = arith.addi %scan3A_26, %scan3A_193 : i32
      %mul3A_195 = arith.constant 16 : i32
      %mul3A_196 = arith.muli %scan3A_194, %mul3A_195 : i32
      %get3A_197 = arith.index_cast %mul3A_196 : i32 to index
      %get3A_198 = tpu.vector_load %arg4[%get3A_197] {strides = array<i32>} : memref<65536xf32, #tpu.memory_space<vmem>>, vector<16xf32>,
      %get3A_199 = vector.shape_cast %get3A_198 : vector<16xf32> to vector<16xf32>
      %add3A_200 = arith.addf %add3A_188, %get3A_199 : vector<16xf32>
      %mul3A_201 = arith.mulf %get3A_199, %get3A_199 : vector<16xf32>
      %add3A_202 = arith.addf %add3A_190, %mul3A_201 : vector<16xf32>
      %abs3A_203 = math.absf %get3A_199 : vector<16xf32>
      %max3A_204 = arith.maximumf %max3A_192, %abs3A_203 : vector<16xf32>
      %scan3A_205 = arith.constant 15 : i32
      %scan3A_206 = arith.addi %scan3A_26, %scan3A_205 : i32
      %mul3A_207 = arith.constant 16 : i32
      %mul3A_208 = arith.muli %scan3A_206, %mul3A_207 : i32
      %get3A_209 = arith.index_cast %mul3A_208 : i32 to index
      %get3A_210 = tpu.vector_load %arg4[%get3A_209] {strides = array<i32>} : memref<65536xf32, #tpu.memory_space<vmem>>, vector<16xf32>,
      %get3A_211 = vector.shape_cast %get3A_210 : vector<16xf32> to vector<16xf32>
      %add3A_212 = arith.addf %add3A_200, %get3A_211 : vector<16xf32>
      %mul3A_213 = arith.mulf %get3A_211, %get3A_211 : vector<16xf32>
      %add3A_214 = arith.addf %add3A_202, %mul3A_213 : vector<16xf32>
      %abs3A_215 = math.absf %get3A_211 : vector<16xf32>
      %max3A_216 = arith.maximumf %max3A_204, %abs3A_215 : vector<16xf32>
      scf.yield %add3A_212, %add3A_214, %max3A_216 : vector<16xf32>, vector<16xf32>, vector<16xf32>
    }
    %scan3A_8 = arith.constant 4096 : i32
    %swap3A = arith.constant 0 : i32
    %swap3A_9 = arith.index_cast %swap3A : i32 to index
    %swap3A_10 = arith.constant 0 : index
    %swap3A_11 = tpu.vector_load %arg5[%swap3A_9, %swap3A_10] {strides = array<i32>} : memref<3x16xf32, #tpu.memory_space<vmem>>, vector<1x16xf32>,
    %swap3A_12 = vector.shape_cast %swap3A_11 : vector<1x16xf32> to vector<16xf32>
    %swap3A_13 = vector.shape_cast %scan3A_7#0 : vector<16xf32> to vector<1x16xf32>
    tpu.vector_store %arg5[%swap3A_9, %swap3A_10], %swap3A_13 {strides = array<i32>} : memref<3x16xf32, #tpu.memory_space<vmem>>, vector<1x16xf32>,
    %swap3A_14 = arith.constant 1 : i32
    %swap3A_15 = arith.index_cast %swap3A_14 : i32 to index
    %swap3A_16 = arith.constant 0 : index
    %swap3A_17 = tpu.vector_load %arg5[%swap3A_15, %swap3A_16] {strides = array<i32>} : memref<3x16xf32, #tpu.memory_space<vmem>>, vector<1x16xf32>,
    %swap3A_18 = vector.shape_cast %swap3A_17 : vector<1x16xf32> to vector<16xf32>
    %swap3A_19 = vector.shape_cast %scan3A_7#1 : vector<16xf32> to vector<1x16xf32>
    tpu.vector_store %arg5[%swap3A_15, %swap3A_16], %swap3A_19 {strides = array<i32>} : memref<3x16xf32, #tpu.memory_space<vmem>>, vector<1x16xf32>,
    %swap3A_20 = arith.constant 2 : i32
    %swap3A_21 = arith.index_cast %swap3A_20 : i32 to index
    %swap3A_22 = arith.constant 0 : index
    %swap3A_23 = tpu.vector_load %arg5[%swap3A_21, %swap3A_22] {strides = array<i32>} : memref<3x16xf32, #tpu.memory_space<vmem>>, vector<1x16xf32>,
    %swap3A_24 = vector.shape_cast %swap3A_23 : vector<1x16xf32> to vector<16xf32>
    %swap3A_25 = vector.shape_cast %scan3A_7#2 : vector<16xf32> to vector<1x16xf32>
    tpu.vector_store %arg5[%swap3A_21, %swap3A_22], %swap3A_25 {strides = array<i32>} : memref<3x16xf32, #tpu.memory_space<vmem>>, vector<1x16xf32>,
    "tpu.region"() ({
      %run_scoped3A = tpu.sem_alloc : memref<!tpu.dma_semaphore, #tpu.memory_space<semaphore_mem>>
      %dma_start3A = arith.constant 0 : i32
      %dma_start3A_26 = arith.constant 0 : i32
      %dma_start3A_27 = tpu.memref_slice %arg3[%add3A, %dma_start3A, %dma_start3A_26] : memref<32x3x16xf32, #tpu.memory_space<hbm>> -> memref<1x3x16xf32, #tpu.memory_space<hbm>>
      %dma_start3A_28 = tpu.memref_squeeze %dma_start3A_27 : memref<1x3x16xf32, #tpu.memory_space<hbm>> -> memref<3x16xf32, #tpu.memory_space<hbm>>
      %dma_start3A_29 = arith.constant 0 : i32
      %dma_start3A_30 = arith.constant 0 : i32
      %dma_start3A_31 = tpu.memref_slice %arg3[%add3A, %dma_start3A_29, %dma_start3A_30] : memref<32x3x16xf32, #tpu.memory_space<hbm>> -> memref<1x3x16xf32, #tpu.memory_space<hbm>>
      %dma_start3A_32 = tpu.memref_squeeze %dma_start3A_31 : memref<1x3x16xf32, #tpu.memory_space<hbm>> -> memref<3x16xf32, #tpu.memory_space<hbm>>
      tpu.enqueue_dma source(%arg5 : memref<3x16xf32, #tpu.memory_space<vmem>>) target(%dma_start3A_32 : memref<3x16xf32, #tpu.memory_space<hbm>>) target_semaphore(%run_scoped3A : memref<!tpu.dma_semaphore, #tpu.memory_space<semaphore_mem>>)
      %dma_wait3A = arith.constant 0 : i32
      %dma_wait3A_33 = arith.constant 0 : i32
      %dma_wait3A_34 = tpu.memref_slice %arg3[%add3A, %dma_wait3A, %dma_wait3A_33] : memref<32x3x16xf32, #tpu.memory_space<hbm>> -> memref<1x3x16xf32, #tpu.memory_space<hbm>>
      %dma_wait3A_35 = tpu.memref_squeeze %dma_wait3A_34 : memref<1x3x16xf32, #tpu.memory_space<hbm>> -> memref<3x16xf32, #tpu.memory_space<hbm>>
      %dma_wait3A_36 = arith.constant 0 : i32
      %dma_wait3A_37 = arith.constant 0 : i32
      %dma_wait3A_38 = tpu.memref_slice %arg3[%add3A, %dma_wait3A_36, %dma_wait3A_37] : memref<32x3x16xf32, #tpu.memory_space<hbm>> -> memref<1x3x16xf32, #tpu.memory_space<hbm>>
      %dma_wait3A_39 = tpu.memref_squeeze %dma_wait3A_38 : memref<1x3x16xf32, #tpu.memory_space<hbm>> -> memref<3x16xf32, #tpu.memory_space<hbm>>
      tpu.wait_dma2 semaphore(%run_scoped3A : memref<!tpu.dma_semaphore, #tpu.memory_space<semaphore_mem>>) src(%arg5 : memref<3x16xf32, #tpu.memory_space<vmem>>) dst(%dma_wait3A_39 : memref<3x16xf32, #tpu.memory_space<hbm>>)
      tpu.yield
    }) : () -> ()
    return
  }
}

#map = affine_map<(d0, d1) -> (0)>
#map1 = affine_map<(d0, d1) -> (0, 0, 0)>
module attributes {stable_mosaic.version = 14 : i64} {
  func.func @_score_body(%arg0: i32, %arg1: i32, %arg2: memref<2097152xf32, #tpu.memory_space<hbm>>, %arg3: memref<32x3x16xf32, #tpu.memory_space<hbm>>, %arg4: memref<2097152xf32, #tpu.memory_space<hbm>>, %arg5: memref<65536xf32, #tpu.memory_space<vmem>>, %arg6: memref<32x3x16xf32, #tpu.memory_space<vmem>>) attributes {dimension_semantics = [#tpu.dimension_semantics<core_parallel>, #tpu.dimension_semantics<subcore_parallel>], iteration_bounds = array<i64: 2, 16>, scalar_prefetch = 0 : i64, scratch_operands = 2 : i64, tpu.core_type = #tpu.core_type<sc_vector_subcore>, window_params = [{transform_indices = #map}, {transform_indices = #map1}, {transform_indices = #map}]} {
    %mul3A = arith.constant 2 : i32
    %mul3A_0 = arith.muli %arg1, %mul3A : i32
    %add3A = arith.addi %mul3A_0, %arg0 : i32
    %mul3A_1 = arith.constant 65536 : i32
    %mul3A_2 = arith.muli %add3A, %mul3A_1 : i32
    "tpu.region"() ({
      %run_scoped3A = tpu.sem_alloc : memref<!tpu.dma_semaphore, #tpu.memory_space<semaphore_mem>>
      %dma_start3A = tpu.memref_slice %arg2[%mul3A_2] : memref<2097152xf32, #tpu.memory_space<hbm>> -> memref<65536xf32, #tpu.memory_space<hbm>>
      %dma_start3A_908 = tpu.memref_slice %arg2[%mul3A_2] : memref<2097152xf32, #tpu.memory_space<hbm>> -> memref<65536xf32, #tpu.memory_space<hbm>>
      tpu.enqueue_dma source(%dma_start3A_908 : memref<65536xf32, #tpu.memory_space<hbm>>) target(%arg5 : memref<65536xf32, #tpu.memory_space<vmem>>) target_semaphore(%run_scoped3A : memref<!tpu.dma_semaphore, #tpu.memory_space<semaphore_mem>>)
      %dma_wait3A = tpu.memref_slice %arg2[%mul3A_2] : memref<2097152xf32, #tpu.memory_space<hbm>> -> memref<65536xf32, #tpu.memory_space<hbm>>
      %dma_wait3A_909 = tpu.memref_slice %arg2[%mul3A_2] : memref<2097152xf32, #tpu.memory_space<hbm>> -> memref<65536xf32, #tpu.memory_space<hbm>>
      tpu.wait_dma2 semaphore(%run_scoped3A : memref<!tpu.dma_semaphore, #tpu.memory_space<semaphore_mem>>) src(%dma_wait3A_909 : memref<65536xf32, #tpu.memory_space<hbm>>) dst(%arg5 : memref<65536xf32, #tpu.memory_space<vmem>>)
      tpu.yield
    }) : () -> ()
    "tpu.region"() ({
      %run_scoped3A = tpu.sem_alloc : memref<!tpu.dma_semaphore, #tpu.memory_space<semaphore_mem>>
      tpu.enqueue_dma source(%arg3 : memref<32x3x16xf32, #tpu.memory_space<hbm>>) target(%arg6 : memref<32x3x16xf32, #tpu.memory_space<vmem>>) target_semaphore(%run_scoped3A : memref<!tpu.dma_semaphore, #tpu.memory_space<semaphore_mem>>)
      tpu.wait_dma2 semaphore(%run_scoped3A : memref<!tpu.dma_semaphore, #tpu.memory_space<semaphore_mem>>) src(%arg3 : memref<32x3x16xf32, #tpu.memory_space<hbm>>) dst(%arg6 : memref<32x3x16xf32, #tpu.memory_space<vmem>>)
      tpu.yield
    }) : () -> ()
    %broadcast_in_dim3A = arith.constant 0.000000e+00 : f32
    %broadcast_in_dim3A_3 = vector.broadcast %broadcast_in_dim3A : f32 to vector<16xf32>
    %get3A = arith.constant 0 : i32
    %get3A_4 = arith.constant 0 : i32
    %get3A_5 = arith.index_cast %get3A : i32 to index
    %get3A_6 = arith.index_cast %get3A_4 : i32 to index
    %get3A_7 = arith.constant 0 : index
    %get3A_8 = tpu.vector_load %arg6[%get3A_5, %get3A_6, %get3A_7] {strides = array<i32>} : memref<32x3x16xf32, #tpu.memory_space<vmem>>, vector<1x1x16xf32>,
    %get3A_9 = vector.shape_cast %get3A_8 : vector<1x1x16xf32> to vector<16xf32>
    %add3A_10 = arith.addf %broadcast_in_dim3A_3, %get3A_9 : vector<16xf32>
    %get3A_11 = arith.constant 0 : i32
    %get3A_12 = arith.constant 1 : i32
    %get3A_13 = arith.index_cast %get3A_11 : i32 to index
    %get3A_14 = arith.index_cast %get3A_12 : i32 to index
    %get3A_15 = arith.constant 0 : index
    %get3A_16 = tpu.vector_load %arg6[%get3A_13, %get3A_14, %get3A_15] {strides = array<i32>} : memref<32x3x16xf32, #tpu.memory_space<vmem>>, vector<1x1x16xf32>,
    %get3A_17 = vector.shape_cast %get3A_16 : vector<1x1x16xf32> to vector<16xf32>
    %add3A_18 = arith.addf %broadcast_in_dim3A_3, %get3A_17 : vector<16xf32>
    %get3A_19 = arith.constant 0 : i32
    %get3A_20 = arith.constant 2 : i32
    %get3A_21 = arith.index_cast %get3A_19 : i32 to index
    %get3A_22 = arith.index_cast %get3A_20 : i32 to index
    %get3A_23 = arith.constant 0 : index
    %get3A_24 = tpu.vector_load %arg6[%get3A_21, %get3A_22, %get3A_23] {strides = array<i32>} : memref<32x3x16xf32, #tpu.memory_space<vmem>>, vector<1x1x16xf32>,
    %get3A_25 = vector.shape_cast %get3A_24 : vector<1x1x16xf32> to vector<16xf32>
    %max3A = arith.maximumf %broadcast_in_dim3A_3, %get3A_25 : vector<16xf32>
    %get3A_26 = arith.constant 1 : i32
    %get3A_27 = arith.constant 0 : i32
    %get3A_28 = arith.index_cast %get3A_26 : i32 to index
    %get3A_29 = arith.index_cast %get3A_27 : i32 to index
    %get3A_30 = arith.constant 0 : index
    %get3A_31 = tpu.vector_load %arg6[%get3A_28, %get3A_29, %get3A_30] {strides = array<i32>} : memref<32x3x16xf32, #tpu.memory_space<vmem>>, vector<1x1x16xf32>,
    %get3A_32 = vector.shape_cast %get3A_31 : vector<1x1x16xf32> to vector<16xf32>
    %add3A_33 = arith.addf %add3A_10, %get3A_32 : vector<16xf32>
    %get3A_34 = arith.constant 1 : i32
    %get3A_35 = arith.constant 1 : i32
    %get3A_36 = arith.index_cast %get3A_34 : i32 to index
    %get3A_37 = arith.index_cast %get3A_35 : i32 to index
    %get3A_38 = arith.constant 0 : index
    %get3A_39 = tpu.vector_load %arg6[%get3A_36, %get3A_37, %get3A_38] {strides = array<i32>} : memref<32x3x16xf32, #tpu.memory_space<vmem>>, vector<1x1x16xf32>,
    %get3A_40 = vector.shape_cast %get3A_39 : vector<1x1x16xf32> to vector<16xf32>
    %add3A_41 = arith.addf %add3A_18, %get3A_40 : vector<16xf32>
    %get3A_42 = arith.constant 1 : i32
    %get3A_43 = arith.constant 2 : i32
    %get3A_44 = arith.index_cast %get3A_42 : i32 to index
    %get3A_45 = arith.index_cast %get3A_43 : i32 to index
    %get3A_46 = arith.constant 0 : index
    %get3A_47 = tpu.vector_load %arg6[%get3A_44, %get3A_45, %get3A_46] {strides = array<i32>} : memref<32x3x16xf32, #tpu.memory_space<vmem>>, vector<1x1x16xf32>,
    %get3A_48 = vector.shape_cast %get3A_47 : vector<1x1x16xf32> to vector<16xf32>
    %max3A_49 = arith.maximumf %max3A, %get3A_48 : vector<16xf32>
    %get3A_50 = arith.constant 2 : i32
    %get3A_51 = arith.constant 0 : i32
    %get3A_52 = arith.index_cast %get3A_50 : i32 to index
    %get3A_53 = arith.index_cast %get3A_51 : i32 to index
    %get3A_54 = arith.constant 0 : index
    %get3A_55 = tpu.vector_load %arg6[%get3A_52, %get3A_53, %get3A_54] {strides = array<i32>} : memref<32x3x16xf32, #tpu.memory_space<vmem>>, vector<1x1x16xf32>,
    %get3A_56 = vector.shape_cast %get3A_55 : vector<1x1x16xf32> to vector<16xf32>
    %add3A_57 = arith.addf %add3A_33, %get3A_56 : vector<16xf32>
    %get3A_58 = arith.constant 2 : i32
    %get3A_59 = arith.constant 1 : i32
    %get3A_60 = arith.index_cast %get3A_58 : i32 to index
    %get3A_61 = arith.index_cast %get3A_59 : i32 to index
    %get3A_62 = arith.constant 0 : index
    %get3A_63 = tpu.vector_load %arg6[%get3A_60, %get3A_61, %get3A_62] {strides = array<i32>} : memref<32x3x16xf32, #tpu.memory_space<vmem>>, vector<1x1x16xf32>,
    %get3A_64 = vector.shape_cast %get3A_63 : vector<1x1x16xf32> to vector<16xf32>
    %add3A_65 = arith.addf %add3A_41, %get3A_64 : vector<16xf32>
    %get3A_66 = arith.constant 2 : i32
    %get3A_67 = arith.constant 2 : i32
    %get3A_68 = arith.index_cast %get3A_66 : i32 to index
    %get3A_69 = arith.index_cast %get3A_67 : i32 to index
    %get3A_70 = arith.constant 0 : index
    %get3A_71 = tpu.vector_load %arg6[%get3A_68, %get3A_69, %get3A_70] {strides = array<i32>} : memref<32x3x16xf32, #tpu.memory_space<vmem>>, vector<1x1x16xf32>,
    %get3A_72 = vector.shape_cast %get3A_71 : vector<1x1x16xf32> to vector<16xf32>
    %max3A_73 = arith.maximumf %max3A_49, %get3A_72 : vector<16xf32>
    %get3A_74 = arith.constant 3 : i32
    %get3A_75 = arith.constant 0 : i32
    %get3A_76 = arith.index_cast %get3A_74 : i32 to index
    %get3A_77 = arith.index_cast %get3A_75 : i32 to index
    %get3A_78 = arith.constant 0 : index
    %get3A_79 = tpu.vector_load %arg6[%get3A_76, %get3A_77, %get3A_78] {strides = array<i32>} : memref<32x3x16xf32, #tpu.memory_space<vmem>>, vector<1x1x16xf32>,
    %get3A_80 = vector.shape_cast %get3A_79 : vector<1x1x16xf32> to vector<16xf32>
    %add3A_81 = arith.addf %add3A_57, %get3A_80 : vector<16xf32>
    %get3A_82 = arith.constant 3 : i32
    %get3A_83 = arith.constant 1 : i32
    %get3A_84 = arith.index_cast %get3A_82 : i32 to index
    %get3A_85 = arith.index_cast %get3A_83 : i32 to index
    %get3A_86 = arith.constant 0 : index
    %get3A_87 = tpu.vector_load %arg6[%get3A_84, %get3A_85, %get3A_86] {strides = array<i32>} : memref<32x3x16xf32, #tpu.memory_space<vmem>>, vector<1x1x16xf32>,
    %get3A_88 = vector.shape_cast %get3A_87 : vector<1x1x16xf32> to vector<16xf32>
    %add3A_89 = arith.addf %add3A_65, %get3A_88 : vector<16xf32>
    %get3A_90 = arith.constant 3 : i32
    %get3A_91 = arith.constant 2 : i32
    %get3A_92 = arith.index_cast %get3A_90 : i32 to index
    %get3A_93 = arith.index_cast %get3A_91 : i32 to index
    %get3A_94 = arith.constant 0 : index
    %get3A_95 = tpu.vector_load %arg6[%get3A_92, %get3A_93, %get3A_94] {strides = array<i32>} : memref<32x3x16xf32, #tpu.memory_space<vmem>>, vector<1x1x16xf32>,
    %get3A_96 = vector.shape_cast %get3A_95 : vector<1x1x16xf32> to vector<16xf32>
    %max3A_97 = arith.maximumf %max3A_73, %get3A_96 : vector<16xf32>
    %get3A_98 = arith.constant 4 : i32
    %get3A_99 = arith.constant 0 : i32
    %get3A_100 = arith.index_cast %get3A_98 : i32 to index
    %get3A_101 = arith.index_cast %get3A_99 : i32 to index
    %get3A_102 = arith.constant 0 : index
    %get3A_103 = tpu.vector_load %arg6[%get3A_100, %get3A_101, %get3A_102] {strides = array<i32>} : memref<32x3x16xf32, #tpu.memory_space<vmem>>, vector<1x1x16xf32>,
    %get3A_104 = vector.shape_cast %get3A_103 : vector<1x1x16xf32> to vector<16xf32>
    %add3A_105 = arith.addf %add3A_81, %get3A_104 : vector<16xf32>
    %get3A_106 = arith.constant 4 : i32
    %get3A_107 = arith.constant 1 : i32
    %get3A_108 = arith.index_cast %get3A_106 : i32 to index
    %get3A_109 = arith.index_cast %get3A_107 : i32 to index
    %get3A_110 = arith.constant 0 : index
    %get3A_111 = tpu.vector_load %arg6[%get3A_108, %get3A_109, %get3A_110] {strides = array<i32>} : memref<32x3x16xf32, #tpu.memory_space<vmem>>, vector<1x1x16xf32>,
    %get3A_112 = vector.shape_cast %get3A_111 : vector<1x1x16xf32> to vector<16xf32>
    %add3A_113 = arith.addf %add3A_89, %get3A_112 : vector<16xf32>
    %get3A_114 = arith.constant 4 : i32
    %get3A_115 = arith.constant 2 : i32
    %get3A_116 = arith.index_cast %get3A_114 : i32 to index
    %get3A_117 = arith.index_cast %get3A_115 : i32 to index
    %get3A_118 = arith.constant 0 : index
    %get3A_119 = tpu.vector_load %arg6[%get3A_116, %get3A_117, %get3A_118] {strides = array<i32>} : memref<32x3x16xf32, #tpu.memory_space<vmem>>, vector<1x1x16xf32>,
    %get3A_120 = vector.shape_cast %get3A_119 : vector<1x1x16xf32> to vector<16xf32>
    %max3A_121 = arith.maximumf %max3A_97, %get3A_120 : vector<16xf32>
    %get3A_122 = arith.constant 5 : i32
    %get3A_123 = arith.constant 0 : i32
    %get3A_124 = arith.index_cast %get3A_122 : i32 to index
    %get3A_125 = arith.index_cast %get3A_123 : i32 to index
    %get3A_126 = arith.constant 0 : index
    %get3A_127 = tpu.vector_load %arg6[%get3A_124, %get3A_125, %get3A_126] {strides = array<i32>} : memref<32x3x16xf32, #tpu.memory_space<vmem>>, vector<1x1x16xf32>,
    %get3A_128 = vector.shape_cast %get3A_127 : vector<1x1x16xf32> to vector<16xf32>
    %add3A_129 = arith.addf %add3A_105, %get3A_128 : vector<16xf32>
    %get3A_130 = arith.constant 5 : i32
    %get3A_131 = arith.constant 1 : i32
    %get3A_132 = arith.index_cast %get3A_130 : i32 to index
    %get3A_133 = arith.index_cast %get3A_131 : i32 to index
    %get3A_134 = arith.constant 0 : index
    %get3A_135 = tpu.vector_load %arg6[%get3A_132, %get3A_133, %get3A_134] {strides = array<i32>} : memref<32x3x16xf32, #tpu.memory_space<vmem>>, vector<1x1x16xf32>,
    %get3A_136 = vector.shape_cast %get3A_135 : vector<1x1x16xf32> to vector<16xf32>
    %add3A_137 = arith.addf %add3A_113, %get3A_136 : vector<16xf32>
    %get3A_138 = arith.constant 5 : i32
    %get3A_139 = arith.constant 2 : i32
    %get3A_140 = arith.index_cast %get3A_138 : i32 to index
    %get3A_141 = arith.index_cast %get3A_139 : i32 to index
    %get3A_142 = arith.constant 0 : index
    %get3A_143 = tpu.vector_load %arg6[%get3A_140, %get3A_141, %get3A_142] {strides = array<i32>} : memref<32x3x16xf32, #tpu.memory_space<vmem>>, vector<1x1x16xf32>,
    %get3A_144 = vector.shape_cast %get3A_143 : vector<1x1x16xf32> to vector<16xf32>
    %max3A_145 = arith.maximumf %max3A_121, %get3A_144 : vector<16xf32>
    %get3A_146 = arith.constant 6 : i32
    %get3A_147 = arith.constant 0 : i32
    %get3A_148 = arith.index_cast %get3A_146 : i32 to index
    %get3A_149 = arith.index_cast %get3A_147 : i32 to index
    %get3A_150 = arith.constant 0 : index
    %get3A_151 = tpu.vector_load %arg6[%get3A_148, %get3A_149, %get3A_150] {strides = array<i32>} : memref<32x3x16xf32, #tpu.memory_space<vmem>>, vector<1x1x16xf32>,
    %get3A_152 = vector.shape_cast %get3A_151 : vector<1x1x16xf32> to vector<16xf32>
    %add3A_153 = arith.addf %add3A_129, %get3A_152 : vector<16xf32>
    %get3A_154 = arith.constant 6 : i32
    %get3A_155 = arith.constant 1 : i32
    %get3A_156 = arith.index_cast %get3A_154 : i32 to index
    %get3A_157 = arith.index_cast %get3A_155 : i32 to index
    %get3A_158 = arith.constant 0 : index
    %get3A_159 = tpu.vector_load %arg6[%get3A_156, %get3A_157, %get3A_158] {strides = array<i32>} : memref<32x3x16xf32, #tpu.memory_space<vmem>>, vector<1x1x16xf32>,
    %get3A_160 = vector.shape_cast %get3A_159 : vector<1x1x16xf32> to vector<16xf32>
    %add3A_161 = arith.addf %add3A_137, %get3A_160 : vector<16xf32>
    %get3A_162 = arith.constant 6 : i32
    %get3A_163 = arith.constant 2 : i32
    %get3A_164 = arith.index_cast %get3A_162 : i32 to index
    %get3A_165 = arith.index_cast %get3A_163 : i32 to index
    %get3A_166 = arith.constant 0 : index
    %get3A_167 = tpu.vector_load %arg6[%get3A_164, %get3A_165, %get3A_166] {strides = array<i32>} : memref<32x3x16xf32, #tpu.memory_space<vmem>>, vector<1x1x16xf32>,
    %get3A_168 = vector.shape_cast %get3A_167 : vector<1x1x16xf32> to vector<16xf32>
    %max3A_169 = arith.maximumf %max3A_145, %get3A_168 : vector<16xf32>
    %get3A_170 = arith.constant 7 : i32
    %get3A_171 = arith.constant 0 : i32
    %get3A_172 = arith.index_cast %get3A_170 : i32 to index
    %get3A_173 = arith.index_cast %get3A_171 : i32 to index
    %get3A_174 = arith.constant 0 : index
    %get3A_175 = tpu.vector_load %arg6[%get3A_172, %get3A_173, %get3A_174] {strides = array<i32>} : memref<32x3x16xf32, #tpu.memory_space<vmem>>, vector<1x1x16xf32>,
    %get3A_176 = vector.shape_cast %get3A_175 : vector<1x1x16xf32> to vector<16xf32>
    %add3A_177 = arith.addf %add3A_153, %get3A_176 : vector<16xf32>
    %get3A_178 = arith.constant 7 : i32
    %get3A_179 = arith.constant 1 : i32
    %get3A_180 = arith.index_cast %get3A_178 : i32 to index
    %get3A_181 = arith.index_cast %get3A_179 : i32 to index
    %get3A_182 = arith.constant 0 : index
    %get3A_183 = tpu.vector_load %arg6[%get3A_180, %get3A_181, %get3A_182] {strides = array<i32>} : memref<32x3x16xf32, #tpu.memory_space<vmem>>, vector<1x1x16xf32>,
    %get3A_184 = vector.shape_cast %get3A_183 : vector<1x1x16xf32> to vector<16xf32>
    %add3A_185 = arith.addf %add3A_161, %get3A_184 : vector<16xf32>
    %get3A_186 = arith.constant 7 : i32
    %get3A_187 = arith.constant 2 : i32
    %get3A_188 = arith.index_cast %get3A_186 : i32 to index
    %get3A_189 = arith.index_cast %get3A_187 : i32 to index
    %get3A_190 = arith.constant 0 : index
    %get3A_191 = tpu.vector_load %arg6[%get3A_188, %get3A_189, %get3A_190] {strides = array<i32>} : memref<32x3x16xf32, #tpu.memory_space<vmem>>, vector<1x1x16xf32>,
    %get3A_192 = vector.shape_cast %get3A_191 : vector<1x1x16xf32> to vector<16xf32>
    %max3A_193 = arith.maximumf %max3A_169, %get3A_192 : vector<16xf32>
    %get3A_194 = arith.constant 8 : i32
    %get3A_195 = arith.constant 0 : i32
    %get3A_196 = arith.index_cast %get3A_194 : i32 to index
    %get3A_197 = arith.index_cast %get3A_195 : i32 to index
    %get3A_198 = arith.constant 0 : index
    %get3A_199 = tpu.vector_load %arg6[%get3A_196, %get3A_197, %get3A_198] {strides = array<i32>} : memref<32x3x16xf32, #tpu.memory_space<vmem>>, vector<1x1x16xf32>,
    %get3A_200 = vector.shape_cast %get3A_199 : vector<1x1x16xf32> to vector<16xf32>
    %add3A_201 = arith.addf %add3A_177, %get3A_200 : vector<16xf32>
    %get3A_202 = arith.constant 8 : i32
    %get3A_203 = arith.constant 1 : i32
    %get3A_204 = arith.index_cast %get3A_202 : i32 to index
    %get3A_205 = arith.index_cast %get3A_203 : i32 to index
    %get3A_206 = arith.constant 0 : index
    %get3A_207 = tpu.vector_load %arg6[%get3A_204, %get3A_205, %get3A_206] {strides = array<i32>} : memref<32x3x16xf32, #tpu.memory_space<vmem>>, vector<1x1x16xf32>,
    %get3A_208 = vector.shape_cast %get3A_207 : vector<1x1x16xf32> to vector<16xf32>
    %add3A_209 = arith.addf %add3A_185, %get3A_208 : vector<16xf32>
    %get3A_210 = arith.constant 8 : i32
    %get3A_211 = arith.constant 2 : i32
    %get3A_212 = arith.index_cast %get3A_210 : i32 to index
    %get3A_213 = arith.index_cast %get3A_211 : i32 to index
    %get3A_214 = arith.constant 0 : index
    %get3A_215 = tpu.vector_load %arg6[%get3A_212, %get3A_213, %get3A_214] {strides = array<i32>} : memref<32x3x16xf32, #tpu.memory_space<vmem>>, vector<1x1x16xf32>,
    %get3A_216 = vector.shape_cast %get3A_215 : vector<1x1x16xf32> to vector<16xf32>
    %max3A_217 = arith.maximumf %max3A_193, %get3A_216 : vector<16xf32>
    %get3A_218 = arith.constant 9 : i32
    %get3A_219 = arith.constant 0 : i32
    %get3A_220 = arith.index_cast %get3A_218 : i32 to index
    %get3A_221 = arith.index_cast %get3A_219 : i32 to index
    %get3A_222 = arith.constant 0 : index
    %get3A_223 = tpu.vector_load %arg6[%get3A_220, %get3A_221, %get3A_222] {strides = array<i32>} : memref<32x3x16xf32, #tpu.memory_space<vmem>>, vector<1x1x16xf32>,
    %get3A_224 = vector.shape_cast %get3A_223 : vector<1x1x16xf32> to vector<16xf32>
    %add3A_225 = arith.addf %add3A_201, %get3A_224 : vector<16xf32>
    %get3A_226 = arith.constant 9 : i32
    %get3A_227 = arith.constant 1 : i32
    %get3A_228 = arith.index_cast %get3A_226 : i32 to index
    %get3A_229 = arith.index_cast %get3A_227 : i32 to index
    %get3A_230 = arith.constant 0 : index
    %get3A_231 = tpu.vector_load %arg6[%get3A_228, %get3A_229, %get3A_230] {strides = array<i32>} : memref<32x3x16xf32, #tpu.memory_space<vmem>>, vector<1x1x16xf32>,
    %get3A_232 = vector.shape_cast %get3A_231 : vector<1x1x16xf32> to vector<16xf32>
    %add3A_233 = arith.addf %add3A_209, %get3A_232 : vector<16xf32>
    %get3A_234 = arith.constant 9 : i32
    %get3A_235 = arith.constant 2 : i32
    %get3A_236 = arith.index_cast %get3A_234 : i32 to index
    %get3A_237 = arith.index_cast %get3A_235 : i32 to index
    %get3A_238 = arith.constant 0 : index
    %get3A_239 = tpu.vector_load %arg6[%get3A_236, %get3A_237, %get3A_238] {strides = array<i32>} : memref<32x3x16xf32, #tpu.memory_space<vmem>>, vector<1x1x16xf32>,
    %get3A_240 = vector.shape_cast %get3A_239 : vector<1x1x16xf32> to vector<16xf32>
    %max3A_241 = arith.maximumf %max3A_217, %get3A_240 : vector<16xf32>
    %get3A_242 = arith.constant 10 : i32
    %get3A_243 = arith.constant 0 : i32
    %get3A_244 = arith.index_cast %get3A_242 : i32 to index
    %get3A_245 = arith.index_cast %get3A_243 : i32 to index
    %get3A_246 = arith.constant 0 : index
    %get3A_247 = tpu.vector_load %arg6[%get3A_244, %get3A_245, %get3A_246] {strides = array<i32>} : memref<32x3x16xf32, #tpu.memory_space<vmem>>, vector<1x1x16xf32>,
    %get3A_248 = vector.shape_cast %get3A_247 : vector<1x1x16xf32> to vector<16xf32>
    %add3A_249 = arith.addf %add3A_225, %get3A_248 : vector<16xf32>
    %get3A_250 = arith.constant 10 : i32
    %get3A_251 = arith.constant 1 : i32
    %get3A_252 = arith.index_cast %get3A_250 : i32 to index
    %get3A_253 = arith.index_cast %get3A_251 : i32 to index
    %get3A_254 = arith.constant 0 : index
    %get3A_255 = tpu.vector_load %arg6[%get3A_252, %get3A_253, %get3A_254] {strides = array<i32>} : memref<32x3x16xf32, #tpu.memory_space<vmem>>, vector<1x1x16xf32>,
    %get3A_256 = vector.shape_cast %get3A_255 : vector<1x1x16xf32> to vector<16xf32>
    %add3A_257 = arith.addf %add3A_233, %get3A_256 : vector<16xf32>
    %get3A_258 = arith.constant 10 : i32
    %get3A_259 = arith.constant 2 : i32
    %get3A_260 = arith.index_cast %get3A_258 : i32 to index
    %get3A_261 = arith.index_cast %get3A_259 : i32 to index
    %get3A_262 = arith.constant 0 : index
    %get3A_263 = tpu.vector_load %arg6[%get3A_260, %get3A_261, %get3A_262] {strides = array<i32>} : memref<32x3x16xf32, #tpu.memory_space<vmem>>, vector<1x1x16xf32>,
    %get3A_264 = vector.shape_cast %get3A_263 : vector<1x1x16xf32> to vector<16xf32>
    %max3A_265 = arith.maximumf %max3A_241, %get3A_264 : vector<16xf32>
    %get3A_266 = arith.constant 11 : i32
    %get3A_267 = arith.constant 0 : i32
    %get3A_268 = arith.index_cast %get3A_266 : i32 to index
    %get3A_269 = arith.index_cast %get3A_267 : i32 to index
    %get3A_270 = arith.constant 0 : index
    %get3A_271 = tpu.vector_load %arg6[%get3A_268, %get3A_269, %get3A_270] {strides = array<i32>} : memref<32x3x16xf32, #tpu.memory_space<vmem>>, vector<1x1x16xf32>,
    %get3A_272 = vector.shape_cast %get3A_271 : vector<1x1x16xf32> to vector<16xf32>
    %add3A_273 = arith.addf %add3A_249, %get3A_272 : vector<16xf32>
    %get3A_274 = arith.constant 11 : i32
    %get3A_275 = arith.constant 1 : i32
    %get3A_276 = arith.index_cast %get3A_274 : i32 to index
    %get3A_277 = arith.index_cast %get3A_275 : i32 to index
    %get3A_278 = arith.constant 0 : index
    %get3A_279 = tpu.vector_load %arg6[%get3A_276, %get3A_277, %get3A_278] {strides = array<i32>} : memref<32x3x16xf32, #tpu.memory_space<vmem>>, vector<1x1x16xf32>,
    %get3A_280 = vector.shape_cast %get3A_279 : vector<1x1x16xf32> to vector<16xf32>
    %add3A_281 = arith.addf %add3A_257, %get3A_280 : vector<16xf32>
    %get3A_282 = arith.constant 11 : i32
    %get3A_283 = arith.constant 2 : i32
    %get3A_284 = arith.index_cast %get3A_282 : i32 to index
    %get3A_285 = arith.index_cast %get3A_283 : i32 to index
    %get3A_286 = arith.constant 0 : index
    %get3A_287 = tpu.vector_load %arg6[%get3A_284, %get3A_285, %get3A_286] {strides = array<i32>} : memref<32x3x16xf32, #tpu.memory_space<vmem>>, vector<1x1x16xf32>,
    %get3A_288 = vector.shape_cast %get3A_287 : vector<1x1x16xf32> to vector<16xf32>
    %max3A_289 = arith.maximumf %max3A_265, %get3A_288 : vector<16xf32>
    %get3A_290 = arith.constant 12 : i32
    %get3A_291 = arith.constant 0 : i32
    %get3A_292 = arith.index_cast %get3A_290 : i32 to index
    %get3A_293 = arith.index_cast %get3A_291 : i32 to index
    %get3A_294 = arith.constant 0 : index
    %get3A_295 = tpu.vector_load %arg6[%get3A_292, %get3A_293, %get3A_294] {strides = array<i32>} : memref<32x3x16xf32, #tpu.memory_space<vmem>>, vector<1x1x16xf32>,
    %get3A_296 = vector.shape_cast %get3A_295 : vector<1x1x16xf32> to vector<16xf32>
    %add3A_297 = arith.addf %add3A_273, %get3A_296 : vector<16xf32>
    %get3A_298 = arith.constant 12 : i32
    %get3A_299 = arith.constant 1 : i32
    %get3A_300 = arith.index_cast %get3A_298 : i32 to index
    %get3A_301 = arith.index_cast %get3A_299 : i32 to index
    %get3A_302 = arith.constant 0 : index
    %get3A_303 = tpu.vector_load %arg6[%get3A_300, %get3A_301, %get3A_302] {strides = array<i32>} : memref<32x3x16xf32, #tpu.memory_space<vmem>>, vector<1x1x16xf32>,
    %get3A_304 = vector.shape_cast %get3A_303 : vector<1x1x16xf32> to vector<16xf32>
    %add3A_305 = arith.addf %add3A_281, %get3A_304 : vector<16xf32>
    %get3A_306 = arith.constant 12 : i32
    %get3A_307 = arith.constant 2 : i32
    %get3A_308 = arith.index_cast %get3A_306 : i32 to index
    %get3A_309 = arith.index_cast %get3A_307 : i32 to index
    %get3A_310 = arith.constant 0 : index
    %get3A_311 = tpu.vector_load %arg6[%get3A_308, %get3A_309, %get3A_310] {strides = array<i32>} : memref<32x3x16xf32, #tpu.memory_space<vmem>>, vector<1x1x16xf32>,
    %get3A_312 = vector.shape_cast %get3A_311 : vector<1x1x16xf32> to vector<16xf32>
    %max3A_313 = arith.maximumf %max3A_289, %get3A_312 : vector<16xf32>
    %get3A_314 = arith.constant 13 : i32
    %get3A_315 = arith.constant 0 : i32
    %get3A_316 = arith.index_cast %get3A_314 : i32 to index
    %get3A_317 = arith.index_cast %get3A_315 : i32 to index
    %get3A_318 = arith.constant 0 : index
    %get3A_319 = tpu.vector_load %arg6[%get3A_316, %get3A_317, %get3A_318] {strides = array<i32>} : memref<32x3x16xf32, #tpu.memory_space<vmem>>, vector<1x1x16xf32>,
    %get3A_320 = vector.shape_cast %get3A_319 : vector<1x1x16xf32> to vector<16xf32>
    %add3A_321 = arith.addf %add3A_297, %get3A_320 : vector<16xf32>
    %get3A_322 = arith.constant 13 : i32
    %get3A_323 = arith.constant 1 : i32
    %get3A_324 = arith.index_cast %get3A_322 : i32 to index
    %get3A_325 = arith.index_cast %get3A_323 : i32 to index
    %get3A_326 = arith.constant 0 : index
    %get3A_327 = tpu.vector_load %arg6[%get3A_324, %get3A_325, %get3A_326] {strides = array<i32>} : memref<32x3x16xf32, #tpu.memory_space<vmem>>, vector<1x1x16xf32>,
    %get3A_328 = vector.shape_cast %get3A_327 : vector<1x1x16xf32> to vector<16xf32>
    %add3A_329 = arith.addf %add3A_305, %get3A_328 : vector<16xf32>
    %get3A_330 = arith.constant 13 : i32
    %get3A_331 = arith.constant 2 : i32
    %get3A_332 = arith.index_cast %get3A_330 : i32 to index
    %get3A_333 = arith.index_cast %get3A_331 : i32 to index
    %get3A_334 = arith.constant 0 : index
    %get3A_335 = tpu.vector_load %arg6[%get3A_332, %get3A_333, %get3A_334] {strides = array<i32>} : memref<32x3x16xf32, #tpu.memory_space<vmem>>, vector<1x1x16xf32>,
    %get3A_336 = vector.shape_cast %get3A_335 : vector<1x1x16xf32> to vector<16xf32>
    %max3A_337 = arith.maximumf %max3A_313, %get3A_336 : vector<16xf32>
    %get3A_338 = arith.constant 14 : i32
    %get3A_339 = arith.constant 0 : i32
    %get3A_340 = arith.index_cast %get3A_338 : i32 to index
    %get3A_341 = arith.index_cast %get3A_339 : i32 to index
    %get3A_342 = arith.constant 0 : index
    %get3A_343 = tpu.vector_load %arg6[%get3A_340, %get3A_341, %get3A_342] {strides = array<i32>} : memref<32x3x16xf32, #tpu.memory_space<vmem>>, vector<1x1x16xf32>,
    %get3A_344 = vector.shape_cast %get3A_343 : vector<1x1x16xf32> to vector<16xf32>
    %add3A_345 = arith.addf %add3A_321, %get3A_344 : vector<16xf32>
    %get3A_346 = arith.constant 14 : i32
    %get3A_347 = arith.constant 1 : i32
    %get3A_348 = arith.index_cast %get3A_346 : i32 to index
    %get3A_349 = arith.index_cast %get3A_347 : i32 to index
    %get3A_350 = arith.constant 0 : index
    %get3A_351 = tpu.vector_load %arg6[%get3A_348, %get3A_349, %get3A_350] {strides = array<i32>} : memref<32x3x16xf32, #tpu.memory_space<vmem>>, vector<1x1x16xf32>,
    %get3A_352 = vector.shape_cast %get3A_351 : vector<1x1x16xf32> to vector<16xf32>
    %add3A_353 = arith.addf %add3A_329, %get3A_352 : vector<16xf32>
    %get3A_354 = arith.constant 14 : i32
    %get3A_355 = arith.constant 2 : i32
    %get3A_356 = arith.index_cast %get3A_354 : i32 to index
    %get3A_357 = arith.index_cast %get3A_355 : i32 to index
    %get3A_358 = arith.constant 0 : index
    %get3A_359 = tpu.vector_load %arg6[%get3A_356, %get3A_357, %get3A_358] {strides = array<i32>} : memref<32x3x16xf32, #tpu.memory_space<vmem>>, vector<1x1x16xf32>,
    %get3A_360 = vector.shape_cast %get3A_359 : vector<1x1x16xf32> to vector<16xf32>
    %max3A_361 = arith.maximumf %max3A_337, %get3A_360 : vector<16xf32>
    %get3A_362 = arith.constant 15 : i32
    %get3A_363 = arith.constant 0 : i32
    %get3A_364 = arith.index_cast %get3A_362 : i32 to index
    %get3A_365 = arith.index_cast %get3A_363 : i32 to index
    %get3A_366 = arith.constant 0 : index
    %get3A_367 = tpu.vector_load %arg6[%get3A_364, %get3A_365, %get3A_366] {strides = array<i32>} : memref<32x3x16xf32, #tpu.memory_space<vmem>>, vector<1x1x16xf32>,
    %get3A_368 = vector.shape_cast %get3A_367 : vector<1x1x16xf32> to vector<16xf32>
    %add3A_369 = arith.addf %add3A_345, %get3A_368 : vector<16xf32>
    %get3A_370 = arith.constant 15 : i32
    %get3A_371 = arith.constant 1 : i32
    %get3A_372 = arith.index_cast %get3A_370 : i32 to index
    %get3A_373 = arith.index_cast %get3A_371 : i32 to index
    %get3A_374 = arith.constant 0 : index
    %get3A_375 = tpu.vector_load %arg6[%get3A_372, %get3A_373, %get3A_374] {strides = array<i32>} : memref<32x3x16xf32, #tpu.memory_space<vmem>>, vector<1x1x16xf32>,
    %get3A_376 = vector.shape_cast %get3A_375 : vector<1x1x16xf32> to vector<16xf32>
    %add3A_377 = arith.addf %add3A_353, %get3A_376 : vector<16xf32>
    %get3A_378 = arith.constant 15 : i32
    %get3A_379 = arith.constant 2 : i32
    %get3A_380 = arith.index_cast %get3A_378 : i32 to index
    %get3A_381 = arith.index_cast %get3A_379 : i32 to index
    %get3A_382 = arith.constant 0 : index
    %get3A_383 = tpu.vector_load %arg6[%get3A_380, %get3A_381, %get3A_382] {strides = array<i32>} : memref<32x3x16xf32, #tpu.memory_space<vmem>>, vector<1x1x16xf32>,
    %get3A_384 = vector.shape_cast %get3A_383 : vector<1x1x16xf32> to vector<16xf32>
    %max3A_385 = arith.maximumf %max3A_361, %get3A_384 : vector<16xf32>
    %get3A_386 = arith.constant 16 : i32
    %get3A_387 = arith.constant 0 : i32
    %get3A_388 = arith.index_cast %get3A_386 : i32 to index
    %get3A_389 = arith.index_cast %get3A_387 : i32 to index
    %get3A_390 = arith.constant 0 : index
    %get3A_391 = tpu.vector_load %arg6[%get3A_388, %get3A_389, %get3A_390] {strides = array<i32>} : memref<32x3x16xf32, #tpu.memory_space<vmem>>, vector<1x1x16xf32>,
    %get3A_392 = vector.shape_cast %get3A_391 : vector<1x1x16xf32> to vector<16xf32>
    %add3A_393 = arith.addf %add3A_369, %get3A_392 : vector<16xf32>
    %get3A_394 = arith.constant 16 : i32
    %get3A_395 = arith.constant 1 : i32
    %get3A_396 = arith.index_cast %get3A_394 : i32 to index
    %get3A_397 = arith.index_cast %get3A_395 : i32 to index
    %get3A_398 = arith.constant 0 : index
    %get3A_399 = tpu.vector_load %arg6[%get3A_396, %get3A_397, %get3A_398] {strides = array<i32>} : memref<32x3x16xf32, #tpu.memory_space<vmem>>, vector<1x1x16xf32>,
    %get3A_400 = vector.shape_cast %get3A_399 : vector<1x1x16xf32> to vector<16xf32>
    %add3A_401 = arith.addf %add3A_377, %get3A_400 : vector<16xf32>
    %get3A_402 = arith.constant 16 : i32
    %get3A_403 = arith.constant 2 : i32
    %get3A_404 = arith.index_cast %get3A_402 : i32 to index
    %get3A_405 = arith.index_cast %get3A_403 : i32 to index
    %get3A_406 = arith.constant 0 : index
    %get3A_407 = tpu.vector_load %arg6[%get3A_404, %get3A_405, %get3A_406] {strides = array<i32>} : memref<32x3x16xf32, #tpu.memory_space<vmem>>, vector<1x1x16xf32>,
    %get3A_408 = vector.shape_cast %get3A_407 : vector<1x1x16xf32> to vector<16xf32>
    %max3A_409 = arith.maximumf %max3A_385, %get3A_408 : vector<16xf32>
    %get3A_410 = arith.constant 17 : i32
    %get3A_411 = arith.constant 0 : i32
    %get3A_412 = arith.index_cast %get3A_410 : i32 to index
    %get3A_413 = arith.index_cast %get3A_411 : i32 to index
    %get3A_414 = arith.constant 0 : index
    %get3A_415 = tpu.vector_load %arg6[%get3A_412, %get3A_413, %get3A_414] {strides = array<i32>} : memref<32x3x16xf32, #tpu.memory_space<vmem>>, vector<1x1x16xf32>,
    %get3A_416 = vector.shape_cast %get3A_415 : vector<1x1x16xf32> to vector<16xf32>
    %add3A_417 = arith.addf %add3A_393, %get3A_416 : vector<16xf32>
    %get3A_418 = arith.constant 17 : i32
    %get3A_419 = arith.constant 1 : i32
    %get3A_420 = arith.index_cast %get3A_418 : i32 to index
    %get3A_421 = arith.index_cast %get3A_419 : i32 to index
    %get3A_422 = arith.constant 0 : index
    %get3A_423 = tpu.vector_load %arg6[%get3A_420, %get3A_421, %get3A_422] {strides = array<i32>} : memref<32x3x16xf32, #tpu.memory_space<vmem>>, vector<1x1x16xf32>,
    %get3A_424 = vector.shape_cast %get3A_423 : vector<1x1x16xf32> to vector<16xf32>
    %add3A_425 = arith.addf %add3A_401, %get3A_424 : vector<16xf32>
    %get3A_426 = arith.constant 17 : i32
    %get3A_427 = arith.constant 2 : i32
    %get3A_428 = arith.index_cast %get3A_426 : i32 to index
    %get3A_429 = arith.index_cast %get3A_427 : i32 to index
    %get3A_430 = arith.constant 0 : index
    %get3A_431 = tpu.vector_load %arg6[%get3A_428, %get3A_429, %get3A_430] {strides = array<i32>} : memref<32x3x16xf32, #tpu.memory_space<vmem>>, vector<1x1x16xf32>,
    %get3A_432 = vector.shape_cast %get3A_431 : vector<1x1x16xf32> to vector<16xf32>
    %max3A_433 = arith.maximumf %max3A_409, %get3A_432 : vector<16xf32>
    %get3A_434 = arith.constant 18 : i32
    %get3A_435 = arith.constant 0 : i32
    %get3A_436 = arith.index_cast %get3A_434 : i32 to index
    %get3A_437 = arith.index_cast %get3A_435 : i32 to index
    %get3A_438 = arith.constant 0 : index
    %get3A_439 = tpu.vector_load %arg6[%get3A_436, %get3A_437, %get3A_438] {strides = array<i32>} : memref<32x3x16xf32, #tpu.memory_space<vmem>>, vector<1x1x16xf32>,
    %get3A_440 = vector.shape_cast %get3A_439 : vector<1x1x16xf32> to vector<16xf32>
    %add3A_441 = arith.addf %add3A_417, %get3A_440 : vector<16xf32>
    %get3A_442 = arith.constant 18 : i32
    %get3A_443 = arith.constant 1 : i32
    %get3A_444 = arith.index_cast %get3A_442 : i32 to index
    %get3A_445 = arith.index_cast %get3A_443 : i32 to index
    %get3A_446 = arith.constant 0 : index
    %get3A_447 = tpu.vector_load %arg6[%get3A_444, %get3A_445, %get3A_446] {strides = array<i32>} : memref<32x3x16xf32, #tpu.memory_space<vmem>>, vector<1x1x16xf32>,
    %get3A_448 = vector.shape_cast %get3A_447 : vector<1x1x16xf32> to vector<16xf32>
    %add3A_449 = arith.addf %add3A_425, %get3A_448 : vector<16xf32>
    %get3A_450 = arith.constant 18 : i32
    %get3A_451 = arith.constant 2 : i32
    %get3A_452 = arith.index_cast %get3A_450 : i32 to index
    %get3A_453 = arith.index_cast %get3A_451 : i32 to index
    %get3A_454 = arith.constant 0 : index
    %get3A_455 = tpu.vector_load %arg6[%get3A_452, %get3A_453, %get3A_454] {strides = array<i32>} : memref<32x3x16xf32, #tpu.memory_space<vmem>>, vector<1x1x16xf32>,
    %get3A_456 = vector.shape_cast %get3A_455 : vector<1x1x16xf32> to vector<16xf32>
    %max3A_457 = arith.maximumf %max3A_433, %get3A_456 : vector<16xf32>
    %get3A_458 = arith.constant 19 : i32
    %get3A_459 = arith.constant 0 : i32
    %get3A_460 = arith.index_cast %get3A_458 : i32 to index
    %get3A_461 = arith.index_cast %get3A_459 : i32 to index
    %get3A_462 = arith.constant 0 : index
    %get3A_463 = tpu.vector_load %arg6[%get3A_460, %get3A_461, %get3A_462] {strides = array<i32>} : memref<32x3x16xf32, #tpu.memory_space<vmem>>, vector<1x1x16xf32>,
    %get3A_464 = vector.shape_cast %get3A_463 : vector<1x1x16xf32> to vector<16xf32>
    %add3A_465 = arith.addf %add3A_441, %get3A_464 : vector<16xf32>
    %get3A_466 = arith.constant 19 : i32
    %get3A_467 = arith.constant 1 : i32
    %get3A_468 = arith.index_cast %get3A_466 : i32 to index
    %get3A_469 = arith.index_cast %get3A_467 : i32 to index
    %get3A_470 = arith.constant 0 : index
    %get3A_471 = tpu.vector_load %arg6[%get3A_468, %get3A_469, %get3A_470] {strides = array<i32>} : memref<32x3x16xf32, #tpu.memory_space<vmem>>, vector<1x1x16xf32>,
    %get3A_472 = vector.shape_cast %get3A_471 : vector<1x1x16xf32> to vector<16xf32>
    %add3A_473 = arith.addf %add3A_449, %get3A_472 : vector<16xf32>
    %get3A_474 = arith.constant 19 : i32
    %get3A_475 = arith.constant 2 : i32
    %get3A_476 = arith.index_cast %get3A_474 : i32 to index
    %get3A_477 = arith.index_cast %get3A_475 : i32 to index
    %get3A_478 = arith.constant 0 : index
    %get3A_479 = tpu.vector_load %arg6[%get3A_476, %get3A_477, %get3A_478] {strides = array<i32>} : memref<32x3x16xf32, #tpu.memory_space<vmem>>, vector<1x1x16xf32>,
    %get3A_480 = vector.shape_cast %get3A_479 : vector<1x1x16xf32> to vector<16xf32>
    %max3A_481 = arith.maximumf %max3A_457, %get3A_480 : vector<16xf32>
    %get3A_482 = arith.constant 20 : i32
    %get3A_483 = arith.constant 0 : i32
    %get3A_484 = arith.index_cast %get3A_482 : i32 to index
    %get3A_485 = arith.index_cast %get3A_483 : i32 to index
    %get3A_486 = arith.constant 0 : index
    %get3A_487 = tpu.vector_load %arg6[%get3A_484, %get3A_485, %get3A_486] {strides = array<i32>} : memref<32x3x16xf32, #tpu.memory_space<vmem>>, vector<1x1x16xf32>,
    %get3A_488 = vector.shape_cast %get3A_487 : vector<1x1x16xf32> to vector<16xf32>
    %add3A_489 = arith.addf %add3A_465, %get3A_488 : vector<16xf32>
    %get3A_490 = arith.constant 20 : i32
    %get3A_491 = arith.constant 1 : i32
    %get3A_492 = arith.index_cast %get3A_490 : i32 to index
    %get3A_493 = arith.index_cast %get3A_491 : i32 to index
    %get3A_494 = arith.constant 0 : index
    %get3A_495 = tpu.vector_load %arg6[%get3A_492, %get3A_493, %get3A_494] {strides = array<i32>} : memref<32x3x16xf32, #tpu.memory_space<vmem>>, vector<1x1x16xf32>,
    %get3A_496 = vector.shape_cast %get3A_495 : vector<1x1x16xf32> to vector<16xf32>
    %add3A_497 = arith.addf %add3A_473, %get3A_496 : vector<16xf32>
    %get3A_498 = arith.constant 20 : i32
    %get3A_499 = arith.constant 2 : i32
    %get3A_500 = arith.index_cast %get3A_498 : i32 to index
    %get3A_501 = arith.index_cast %get3A_499 : i32 to index
    %get3A_502 = arith.constant 0 : index
    %get3A_503 = tpu.vector_load %arg6[%get3A_500, %get3A_501, %get3A_502] {strides = array<i32>} : memref<32x3x16xf32, #tpu.memory_space<vmem>>, vector<1x1x16xf32>,
    %get3A_504 = vector.shape_cast %get3A_503 : vector<1x1x16xf32> to vector<16xf32>
    %max3A_505 = arith.maximumf %max3A_481, %get3A_504 : vector<16xf32>
    %get3A_506 = arith.constant 21 : i32
    %get3A_507 = arith.constant 0 : i32
    %get3A_508 = arith.index_cast %get3A_506 : i32 to index
    %get3A_509 = arith.index_cast %get3A_507 : i32 to index
    %get3A_510 = arith.constant 0 : index
    %get3A_511 = tpu.vector_load %arg6[%get3A_508, %get3A_509, %get3A_510] {strides = array<i32>} : memref<32x3x16xf32, #tpu.memory_space<vmem>>, vector<1x1x16xf32>,
    %get3A_512 = vector.shape_cast %get3A_511 : vector<1x1x16xf32> to vector<16xf32>
    %add3A_513 = arith.addf %add3A_489, %get3A_512 : vector<16xf32>
    %get3A_514 = arith.constant 21 : i32
    %get3A_515 = arith.constant 1 : i32
    %get3A_516 = arith.index_cast %get3A_514 : i32 to index
    %get3A_517 = arith.index_cast %get3A_515 : i32 to index
    %get3A_518 = arith.constant 0 : index
    %get3A_519 = tpu.vector_load %arg6[%get3A_516, %get3A_517, %get3A_518] {strides = array<i32>} : memref<32x3x16xf32, #tpu.memory_space<vmem>>, vector<1x1x16xf32>,
    %get3A_520 = vector.shape_cast %get3A_519 : vector<1x1x16xf32> to vector<16xf32>
    %add3A_521 = arith.addf %add3A_497, %get3A_520 : vector<16xf32>
    %get3A_522 = arith.constant 21 : i32
    %get3A_523 = arith.constant 2 : i32
    %get3A_524 = arith.index_cast %get3A_522 : i32 to index
    %get3A_525 = arith.index_cast %get3A_523 : i32 to index
    %get3A_526 = arith.constant 0 : index
    %get3A_527 = tpu.vector_load %arg6[%get3A_524, %get3A_525, %get3A_526] {strides = array<i32>} : memref<32x3x16xf32, #tpu.memory_space<vmem>>, vector<1x1x16xf32>,
    %get3A_528 = vector.shape_cast %get3A_527 : vector<1x1x16xf32> to vector<16xf32>
    %max3A_529 = arith.maximumf %max3A_505, %get3A_528 : vector<16xf32>
    %get3A_530 = arith.constant 22 : i32
    %get3A_531 = arith.constant 0 : i32
    %get3A_532 = arith.index_cast %get3A_530 : i32 to index
    %get3A_533 = arith.index_cast %get3A_531 : i32 to index
    %get3A_534 = arith.constant 0 : index
    %get3A_535 = tpu.vector_load %arg6[%get3A_532, %get3A_533, %get3A_534] {strides = array<i32>} : memref<32x3x16xf32, #tpu.memory_space<vmem>>, vector<1x1x16xf32>,
    %get3A_536 = vector.shape_cast %get3A_535 : vector<1x1x16xf32> to vector<16xf32>
    %add3A_537 = arith.addf %add3A_513, %get3A_536 : vector<16xf32>
    %get3A_538 = arith.constant 22 : i32
    %get3A_539 = arith.constant 1 : i32
    %get3A_540 = arith.index_cast %get3A_538 : i32 to index
    %get3A_541 = arith.index_cast %get3A_539 : i32 to index
    %get3A_542 = arith.constant 0 : index
    %get3A_543 = tpu.vector_load %arg6[%get3A_540, %get3A_541, %get3A_542] {strides = array<i32>} : memref<32x3x16xf32, #tpu.memory_space<vmem>>, vector<1x1x16xf32>,
    %get3A_544 = vector.shape_cast %get3A_543 : vector<1x1x16xf32> to vector<16xf32>
    %add3A_545 = arith.addf %add3A_521, %get3A_544 : vector<16xf32>
    %get3A_546 = arith.constant 22 : i32
    %get3A_547 = arith.constant 2 : i32
    %get3A_548 = arith.index_cast %get3A_546 : i32 to index
    %get3A_549 = arith.index_cast %get3A_547 : i32 to index
    %get3A_550 = arith.constant 0 : index
    %get3A_551 = tpu.vector_load %arg6[%get3A_548, %get3A_549, %get3A_550] {strides = array<i32>} : memref<32x3x16xf32, #tpu.memory_space<vmem>>, vector<1x1x16xf32>,
    %get3A_552 = vector.shape_cast %get3A_551 : vector<1x1x16xf32> to vector<16xf32>
    %max3A_553 = arith.maximumf %max3A_529, %get3A_552 : vector<16xf32>
    %get3A_554 = arith.constant 23 : i32
    %get3A_555 = arith.constant 0 : i32
    %get3A_556 = arith.index_cast %get3A_554 : i32 to index
    %get3A_557 = arith.index_cast %get3A_555 : i32 to index
    %get3A_558 = arith.constant 0 : index
    %get3A_559 = tpu.vector_load %arg6[%get3A_556, %get3A_557, %get3A_558] {strides = array<i32>} : memref<32x3x16xf32, #tpu.memory_space<vmem>>, vector<1x1x16xf32>,
    %get3A_560 = vector.shape_cast %get3A_559 : vector<1x1x16xf32> to vector<16xf32>
    %add3A_561 = arith.addf %add3A_537, %get3A_560 : vector<16xf32>
    %get3A_562 = arith.constant 23 : i32
    %get3A_563 = arith.constant 1 : i32
    %get3A_564 = arith.index_cast %get3A_562 : i32 to index
    %get3A_565 = arith.index_cast %get3A_563 : i32 to index
    %get3A_566 = arith.constant 0 : index
    %get3A_567 = tpu.vector_load %arg6[%get3A_564, %get3A_565, %get3A_566] {strides = array<i32>} : memref<32x3x16xf32, #tpu.memory_space<vmem>>, vector<1x1x16xf32>,
    %get3A_568 = vector.shape_cast %get3A_567 : vector<1x1x16xf32> to vector<16xf32>
    %add3A_569 = arith.addf %add3A_545, %get3A_568 : vector<16xf32>
    %get3A_570 = arith.constant 23 : i32
    %get3A_571 = arith.constant 2 : i32
    %get3A_572 = arith.index_cast %get3A_570 : i32 to index
    %get3A_573 = arith.index_cast %get3A_571 : i32 to index
    %get3A_574 = arith.constant 0 : index
    %get3A_575 = tpu.vector_load %arg6[%get3A_572, %get3A_573, %get3A_574] {strides = array<i32>} : memref<32x3x16xf32, #tpu.memory_space<vmem>>, vector<1x1x16xf32>,
    %get3A_576 = vector.shape_cast %get3A_575 : vector<1x1x16xf32> to vector<16xf32>
    %max3A_577 = arith.maximumf %max3A_553, %get3A_576 : vector<16xf32>
    %get3A_578 = arith.constant 24 : i32
    %get3A_579 = arith.constant 0 : i32
    %get3A_580 = arith.index_cast %get3A_578 : i32 to index
    %get3A_581 = arith.index_cast %get3A_579 : i32 to index
    %get3A_582 = arith.constant 0 : index
    %get3A_583 = tpu.vector_load %arg6[%get3A_580, %get3A_581, %get3A_582] {strides = array<i32>} : memref<32x3x16xf32, #tpu.memory_space<vmem>>, vector<1x1x16xf32>,
    %get3A_584 = vector.shape_cast %get3A_583 : vector<1x1x16xf32> to vector<16xf32>
    %add3A_585 = arith.addf %add3A_561, %get3A_584 : vector<16xf32>
    %get3A_586 = arith.constant 24 : i32
    %get3A_587 = arith.constant 1 : i32
    %get3A_588 = arith.index_cast %get3A_586 : i32 to index
    %get3A_589 = arith.index_cast %get3A_587 : i32 to index
    %get3A_590 = arith.constant 0 : index
    %get3A_591 = tpu.vector_load %arg6[%get3A_588, %get3A_589, %get3A_590] {strides = array<i32>} : memref<32x3x16xf32, #tpu.memory_space<vmem>>, vector<1x1x16xf32>,
    %get3A_592 = vector.shape_cast %get3A_591 : vector<1x1x16xf32> to vector<16xf32>
    %add3A_593 = arith.addf %add3A_569, %get3A_592 : vector<16xf32>
    %get3A_594 = arith.constant 24 : i32
    %get3A_595 = arith.constant 2 : i32
    %get3A_596 = arith.index_cast %get3A_594 : i32 to index
    %get3A_597 = arith.index_cast %get3A_595 : i32 to index
    %get3A_598 = arith.constant 0 : index
    %get3A_599 = tpu.vector_load %arg6[%get3A_596, %get3A_597, %get3A_598] {strides = array<i32>} : memref<32x3x16xf32, #tpu.memory_space<vmem>>, vector<1x1x16xf32>,
    %get3A_600 = vector.shape_cast %get3A_599 : vector<1x1x16xf32> to vector<16xf32>
    %max3A_601 = arith.maximumf %max3A_577, %get3A_600 : vector<16xf32>
    %get3A_602 = arith.constant 25 : i32
    %get3A_603 = arith.constant 0 : i32
    %get3A_604 = arith.index_cast %get3A_602 : i32 to index
    %get3A_605 = arith.index_cast %get3A_603 : i32 to index
    %get3A_606 = arith.constant 0 : index
    %get3A_607 = tpu.vector_load %arg6[%get3A_604, %get3A_605, %get3A_606] {strides = array<i32>} : memref<32x3x16xf32, #tpu.memory_space<vmem>>, vector<1x1x16xf32>,
    %get3A_608 = vector.shape_cast %get3A_607 : vector<1x1x16xf32> to vector<16xf32>
    %add3A_609 = arith.addf %add3A_585, %get3A_608 : vector<16xf32>
    %get3A_610 = arith.constant 25 : i32
    %get3A_611 = arith.constant 1 : i32
    %get3A_612 = arith.index_cast %get3A_610 : i32 to index
    %get3A_613 = arith.index_cast %get3A_611 : i32 to index
    %get3A_614 = arith.constant 0 : index
    %get3A_615 = tpu.vector_load %arg6[%get3A_612, %get3A_613, %get3A_614] {strides = array<i32>} : memref<32x3x16xf32, #tpu.memory_space<vmem>>, vector<1x1x16xf32>,
    %get3A_616 = vector.shape_cast %get3A_615 : vector<1x1x16xf32> to vector<16xf32>
    %add3A_617 = arith.addf %add3A_593, %get3A_616 : vector<16xf32>
    %get3A_618 = arith.constant 25 : i32
    %get3A_619 = arith.constant 2 : i32
    %get3A_620 = arith.index_cast %get3A_618 : i32 to index
    %get3A_621 = arith.index_cast %get3A_619 : i32 to index
    %get3A_622 = arith.constant 0 : index
    %get3A_623 = tpu.vector_load %arg6[%get3A_620, %get3A_621, %get3A_622] {strides = array<i32>} : memref<32x3x16xf32, #tpu.memory_space<vmem>>, vector<1x1x16xf32>,
    %get3A_624 = vector.shape_cast %get3A_623 : vector<1x1x16xf32> to vector<16xf32>
    %max3A_625 = arith.maximumf %max3A_601, %get3A_624 : vector<16xf32>
    %get3A_626 = arith.constant 26 : i32
    %get3A_627 = arith.constant 0 : i32
    %get3A_628 = arith.index_cast %get3A_626 : i32 to index
    %get3A_629 = arith.index_cast %get3A_627 : i32 to index
    %get3A_630 = arith.constant 0 : index
    %get3A_631 = tpu.vector_load %arg6[%get3A_628, %get3A_629, %get3A_630] {strides = array<i32>} : memref<32x3x16xf32, #tpu.memory_space<vmem>>, vector<1x1x16xf32>,
    %get3A_632 = vector.shape_cast %get3A_631 : vector<1x1x16xf32> to vector<16xf32>
    %add3A_633 = arith.addf %add3A_609, %get3A_632 : vector<16xf32>
    %get3A_634 = arith.constant 26 : i32
    %get3A_635 = arith.constant 1 : i32
    %get3A_636 = arith.index_cast %get3A_634 : i32 to index
    %get3A_637 = arith.index_cast %get3A_635 : i32 to index
    %get3A_638 = arith.constant 0 : index
    %get3A_639 = tpu.vector_load %arg6[%get3A_636, %get3A_637, %get3A_638] {strides = array<i32>} : memref<32x3x16xf32, #tpu.memory_space<vmem>>, vector<1x1x16xf32>,
    %get3A_640 = vector.shape_cast %get3A_639 : vector<1x1x16xf32> to vector<16xf32>
    %add3A_641 = arith.addf %add3A_617, %get3A_640 : vector<16xf32>
    %get3A_642 = arith.constant 26 : i32
    %get3A_643 = arith.constant 2 : i32
    %get3A_644 = arith.index_cast %get3A_642 : i32 to index
    %get3A_645 = arith.index_cast %get3A_643 : i32 to index
    %get3A_646 = arith.constant 0 : index
    %get3A_647 = tpu.vector_load %arg6[%get3A_644, %get3A_645, %get3A_646] {strides = array<i32>} : memref<32x3x16xf32, #tpu.memory_space<vmem>>, vector<1x1x16xf32>,
    %get3A_648 = vector.shape_cast %get3A_647 : vector<1x1x16xf32> to vector<16xf32>
    %max3A_649 = arith.maximumf %max3A_625, %get3A_648 : vector<16xf32>
    %get3A_650 = arith.constant 27 : i32
    %get3A_651 = arith.constant 0 : i32
    %get3A_652 = arith.index_cast %get3A_650 : i32 to index
    %get3A_653 = arith.index_cast %get3A_651 : i32 to index
    %get3A_654 = arith.constant 0 : index
    %get3A_655 = tpu.vector_load %arg6[%get3A_652, %get3A_653, %get3A_654] {strides = array<i32>} : memref<32x3x16xf32, #tpu.memory_space<vmem>>, vector<1x1x16xf32>,
    %get3A_656 = vector.shape_cast %get3A_655 : vector<1x1x16xf32> to vector<16xf32>
    %add3A_657 = arith.addf %add3A_633, %get3A_656 : vector<16xf32>
    %get3A_658 = arith.constant 27 : i32
    %get3A_659 = arith.constant 1 : i32
    %get3A_660 = arith.index_cast %get3A_658 : i32 to index
    %get3A_661 = arith.index_cast %get3A_659 : i32 to index
    %get3A_662 = arith.constant 0 : index
    %get3A_663 = tpu.vector_load %arg6[%get3A_660, %get3A_661, %get3A_662] {strides = array<i32>} : memref<32x3x16xf32, #tpu.memory_space<vmem>>, vector<1x1x16xf32>,
    %get3A_664 = vector.shape_cast %get3A_663 : vector<1x1x16xf32> to vector<16xf32>
    %add3A_665 = arith.addf %add3A_641, %get3A_664 : vector<16xf32>
    %get3A_666 = arith.constant 27 : i32
    %get3A_667 = arith.constant 2 : i32
    %get3A_668 = arith.index_cast %get3A_666 : i32 to index
    %get3A_669 = arith.index_cast %get3A_667 : i32 to index
    %get3A_670 = arith.constant 0 : index
    %get3A_671 = tpu.vector_load %arg6[%get3A_668, %get3A_669, %get3A_670] {strides = array<i32>} : memref<32x3x16xf32, #tpu.memory_space<vmem>>, vector<1x1x16xf32>,
    %get3A_672 = vector.shape_cast %get3A_671 : vector<1x1x16xf32> to vector<16xf32>
    %max3A_673 = arith.maximumf %max3A_649, %get3A_672 : vector<16xf32>
    %get3A_674 = arith.constant 28 : i32
    %get3A_675 = arith.constant 0 : i32
    %get3A_676 = arith.index_cast %get3A_674 : i32 to index
    %get3A_677 = arith.index_cast %get3A_675 : i32 to index
    %get3A_678 = arith.constant 0 : index
    %get3A_679 = tpu.vector_load %arg6[%get3A_676, %get3A_677, %get3A_678] {strides = array<i32>} : memref<32x3x16xf32, #tpu.memory_space<vmem>>, vector<1x1x16xf32>,
    %get3A_680 = vector.shape_cast %get3A_679 : vector<1x1x16xf32> to vector<16xf32>
    %add3A_681 = arith.addf %add3A_657, %get3A_680 : vector<16xf32>
    %get3A_682 = arith.constant 28 : i32
    %get3A_683 = arith.constant 1 : i32
    %get3A_684 = arith.index_cast %get3A_682 : i32 to index
    %get3A_685 = arith.index_cast %get3A_683 : i32 to index
    %get3A_686 = arith.constant 0 : index
    %get3A_687 = tpu.vector_load %arg6[%get3A_684, %get3A_685, %get3A_686] {strides = array<i32>} : memref<32x3x16xf32, #tpu.memory_space<vmem>>, vector<1x1x16xf32>,
    %get3A_688 = vector.shape_cast %get3A_687 : vector<1x1x16xf32> to vector<16xf32>
    %add3A_689 = arith.addf %add3A_665, %get3A_688 : vector<16xf32>
    %get3A_690 = arith.constant 28 : i32
    %get3A_691 = arith.constant 2 : i32
    %get3A_692 = arith.index_cast %get3A_690 : i32 to index
    %get3A_693 = arith.index_cast %get3A_691 : i32 to index
    %get3A_694 = arith.constant 0 : index
    %get3A_695 = tpu.vector_load %arg6[%get3A_692, %get3A_693, %get3A_694] {strides = array<i32>} : memref<32x3x16xf32, #tpu.memory_space<vmem>>, vector<1x1x16xf32>,
    %get3A_696 = vector.shape_cast %get3A_695 : vector<1x1x16xf32> to vector<16xf32>
    %max3A_697 = arith.maximumf %max3A_673, %get3A_696 : vector<16xf32>
    %get3A_698 = arith.constant 29 : i32
    %get3A_699 = arith.constant 0 : i32
    %get3A_700 = arith.index_cast %get3A_698 : i32 to index
    %get3A_701 = arith.index_cast %get3A_699 : i32 to index
    %get3A_702 = arith.constant 0 : index
    %get3A_703 = tpu.vector_load %arg6[%get3A_700, %get3A_701, %get3A_702] {strides = array<i32>} : memref<32x3x16xf32, #tpu.memory_space<vmem>>, vector<1x1x16xf32>,
    %get3A_704 = vector.shape_cast %get3A_703 : vector<1x1x16xf32> to vector<16xf32>
    %add3A_705 = arith.addf %add3A_681, %get3A_704 : vector<16xf32>
    %get3A_706 = arith.constant 29 : i32
    %get3A_707 = arith.constant 1 : i32
    %get3A_708 = arith.index_cast %get3A_706 : i32 to index
    %get3A_709 = arith.index_cast %get3A_707 : i32 to index
    %get3A_710 = arith.constant 0 : index
    %get3A_711 = tpu.vector_load %arg6[%get3A_708, %get3A_709, %get3A_710] {strides = array<i32>} : memref<32x3x16xf32, #tpu.memory_space<vmem>>, vector<1x1x16xf32>,
    %get3A_712 = vector.shape_cast %get3A_711 : vector<1x1x16xf32> to vector<16xf32>
    %add3A_713 = arith.addf %add3A_689, %get3A_712 : vector<16xf32>
    %get3A_714 = arith.constant 29 : i32
    %get3A_715 = arith.constant 2 : i32
    %get3A_716 = arith.index_cast %get3A_714 : i32 to index
    %get3A_717 = arith.index_cast %get3A_715 : i32 to index
    %get3A_718 = arith.constant 0 : index
    %get3A_719 = tpu.vector_load %arg6[%get3A_716, %get3A_717, %get3A_718] {strides = array<i32>} : memref<32x3x16xf32, #tpu.memory_space<vmem>>, vector<1x1x16xf32>,
    %get3A_720 = vector.shape_cast %get3A_719 : vector<1x1x16xf32> to vector<16xf32>
    %max3A_721 = arith.maximumf %max3A_697, %get3A_720 : vector<16xf32>
    %get3A_722 = arith.constant 30 : i32
    %get3A_723 = arith.constant 0 : i32
    %get3A_724 = arith.index_cast %get3A_722 : i32 to index
    %get3A_725 = arith.index_cast %get3A_723 : i32 to index
    %get3A_726 = arith.constant 0 : index
    %get3A_727 = tpu.vector_load %arg6[%get3A_724, %get3A_725, %get3A_726] {strides = array<i32>} : memref<32x3x16xf32, #tpu.memory_space<vmem>>, vector<1x1x16xf32>,
    %get3A_728 = vector.shape_cast %get3A_727 : vector<1x1x16xf32> to vector<16xf32>
    %add3A_729 = arith.addf %add3A_705, %get3A_728 : vector<16xf32>
    %get3A_730 = arith.constant 30 : i32
    %get3A_731 = arith.constant 1 : i32
    %get3A_732 = arith.index_cast %get3A_730 : i32 to index
    %get3A_733 = arith.index_cast %get3A_731 : i32 to index
    %get3A_734 = arith.constant 0 : index
    %get3A_735 = tpu.vector_load %arg6[%get3A_732, %get3A_733, %get3A_734] {strides = array<i32>} : memref<32x3x16xf32, #tpu.memory_space<vmem>>, vector<1x1x16xf32>,
    %get3A_736 = vector.shape_cast %get3A_735 : vector<1x1x16xf32> to vector<16xf32>
    %add3A_737 = arith.addf %add3A_713, %get3A_736 : vector<16xf32>
    %get3A_738 = arith.constant 30 : i32
    %get3A_739 = arith.constant 2 : i32
    %get3A_740 = arith.index_cast %get3A_738 : i32 to index
    %get3A_741 = arith.index_cast %get3A_739 : i32 to index
    %get3A_742 = arith.constant 0 : index
    %get3A_743 = tpu.vector_load %arg6[%get3A_740, %get3A_741, %get3A_742] {strides = array<i32>} : memref<32x3x16xf32, #tpu.memory_space<vmem>>, vector<1x1x16xf32>,
    %get3A_744 = vector.shape_cast %get3A_743 : vector<1x1x16xf32> to vector<16xf32>
    %max3A_745 = arith.maximumf %max3A_721, %get3A_744 : vector<16xf32>
    %get3A_746 = arith.constant 31 : i32
    %get3A_747 = arith.constant 0 : i32
    %get3A_748 = arith.index_cast %get3A_746 : i32 to index
    %get3A_749 = arith.index_cast %get3A_747 : i32 to index
    %get3A_750 = arith.constant 0 : index
    %get3A_751 = tpu.vector_load %arg6[%get3A_748, %get3A_749, %get3A_750] {strides = array<i32>} : memref<32x3x16xf32, #tpu.memory_space<vmem>>, vector<1x1x16xf32>,
    %get3A_752 = vector.shape_cast %get3A_751 : vector<1x1x16xf32> to vector<16xf32>
    %add3A_753 = arith.addf %add3A_729, %get3A_752 : vector<16xf32>
    %get3A_754 = arith.constant 31 : i32
    %get3A_755 = arith.constant 1 : i32
    %get3A_756 = arith.index_cast %get3A_754 : i32 to index
    %get3A_757 = arith.index_cast %get3A_755 : i32 to index
    %get3A_758 = arith.constant 0 : index
    %get3A_759 = tpu.vector_load %arg6[%get3A_756, %get3A_757, %get3A_758] {strides = array<i32>} : memref<32x3x16xf32, #tpu.memory_space<vmem>>, vector<1x1x16xf32>,
    %get3A_760 = vector.shape_cast %get3A_759 : vector<1x1x16xf32> to vector<16xf32>
    %add3A_761 = arith.addf %add3A_737, %get3A_760 : vector<16xf32>
    %get3A_762 = arith.constant 31 : i32
    %get3A_763 = arith.constant 2 : i32
    %get3A_764 = arith.index_cast %get3A_762 : i32 to index
    %get3A_765 = arith.index_cast %get3A_763 : i32 to index
    %get3A_766 = arith.constant 0 : index
    %get3A_767 = tpu.vector_load %arg6[%get3A_764, %get3A_765, %get3A_766] {strides = array<i32>} : memref<32x3x16xf32, #tpu.memory_space<vmem>>, vector<1x1x16xf32>,
    %get3A_768 = vector.shape_cast %get3A_767 : vector<1x1x16xf32> to vector<16xf32>
    %max3A_769 = arith.maximumf %max3A_745, %get3A_768 : vector<16xf32>
    %iota3A = tpu.iota {dimensions = array<i32: 0>} : vector<16xi32>
    %xor3A = arith.constant 8 : i32
    %xor3A_770 = vector.broadcast %xor3A : i32 to vector<16xi32>
    %xor3A_771 = arith.xori %iota3A, %xor3A_770 : vector<16xi32>
    %reshape3A = vector.shape_cast %xor3A_771 : vector<16xi32> to vector<16x1xi32>
    %gather3A = vector.shape_cast %reshape3A : vector<16x1xi32> to vector<16xi32>
    %gather3A_772 = tpu.dynamic_gather %add3A_753[%gather3A] in [0] : vector<16xf32>, vector<16xi32> -> vector<16xf32>
    %add3A_773 = arith.addf %add3A_753, %gather3A_772 : vector<16xf32>
    %xor3A_774 = arith.constant 4 : i32
    %xor3A_775 = vector.broadcast %xor3A_774 : i32 to vector<16xi32>
    %xor3A_776 = arith.xori %iota3A, %xor3A_775 : vector<16xi32>
    %reshape3A_777 = vector.shape_cast %xor3A_776 : vector<16xi32> to vector<16x1xi32>
    %gather3A_778 = vector.shape_cast %reshape3A_777 : vector<16x1xi32> to vector<16xi32>
    %gather3A_779 = tpu.dynamic_gather %add3A_773[%gather3A_778] in [0] : vector<16xf32>, vector<16xi32> -> vector<16xf32>
    %add3A_780 = arith.addf %add3A_773, %gather3A_779 : vector<16xf32>
    %xor3A_781 = arith.constant 2 : i32
    %xor3A_782 = vector.broadcast %xor3A_781 : i32 to vector<16xi32>
    %xor3A_783 = arith.xori %iota3A, %xor3A_782 : vector<16xi32>
    %reshape3A_784 = vector.shape_cast %xor3A_783 : vector<16xi32> to vector<16x1xi32>
    %gather3A_785 = vector.shape_cast %reshape3A_784 : vector<16x1xi32> to vector<16xi32>
    %gather3A_786 = tpu.dynamic_gather %add3A_780[%gather3A_785] in [0] : vector<16xf32>, vector<16xi32> -> vector<16xf32>
    %add3A_787 = arith.addf %add3A_780, %gather3A_786 : vector<16xf32>
    %xor3A_788 = arith.constant 1 : i32
    %xor3A_789 = vector.broadcast %xor3A_788 : i32 to vector<16xi32>
    %xor3A_790 = arith.xori %iota3A, %xor3A_789 : vector<16xi32>
    %reshape3A_791 = vector.shape_cast %xor3A_790 : vector<16xi32> to vector<16x1xi32>
    %gather3A_792 = vector.shape_cast %reshape3A_791 : vector<16x1xi32> to vector<16xi32>
    %gather3A_793 = tpu.dynamic_gather %add3A_787[%gather3A_792] in [0] : vector<16xf32>, vector<16xi32> -> vector<16xf32>
    %add3A_794 = arith.addf %add3A_787, %gather3A_793 : vector<16xf32>
    %iota3A_795 = tpu.iota {dimensions = array<i32: 0>} : vector<16xi32>
    %xor3A_796 = arith.constant 8 : i32
    %xor3A_797 = vector.broadcast %xor3A_796 : i32 to vector<16xi32>
    %xor3A_798 = arith.xori %iota3A_795, %xor3A_797 : vector<16xi32>
    %reshape3A_799 = vector.shape_cast %xor3A_798 : vector<16xi32> to vector<16x1xi32>
    %gather3A_800 = vector.shape_cast %reshape3A_799 : vector<16x1xi32> to vector<16xi32>
    %gather3A_801 = tpu.dynamic_gather %add3A_761[%gather3A_800] in [0] : vector<16xf32>, vector<16xi32> -> vector<16xf32>
    %add3A_802 = arith.addf %add3A_761, %gather3A_801 : vector<16xf32>
    %xor3A_803 = arith.constant 4 : i32
    %xor3A_804 = vector.broadcast %xor3A_803 : i32 to vector<16xi32>
    %xor3A_805 = arith.xori %iota3A_795, %xor3A_804 : vector<16xi32>
    %reshape3A_806 = vector.shape_cast %xor3A_805 : vector<16xi32> to vector<16x1xi32>
    %gather3A_807 = vector.shape_cast %reshape3A_806 : vector<16x1xi32> to vector<16xi32>
    %gather3A_808 = tpu.dynamic_gather %add3A_802[%gather3A_807] in [0] : vector<16xf32>, vector<16xi32> -> vector<16xf32>
    %add3A_809 = arith.addf %add3A_802, %gather3A_808 : vector<16xf32>
    %xor3A_810 = arith.constant 2 : i32
    %xor3A_811 = vector.broadcast %xor3A_810 : i32 to vector<16xi32>
    %xor3A_812 = arith.xori %iota3A_795, %xor3A_811 : vector<16xi32>
    %reshape3A_813 = vector.shape_cast %xor3A_812 : vector<16xi32> to vector<16x1xi32>
    %gather3A_814 = vector.shape_cast %reshape3A_813 : vector<16x1xi32> to vector<16xi32>
    %gather3A_815 = tpu.dynamic_gather %add3A_809[%gather3A_814] in [0] : vector<16xf32>, vector<16xi32> -> vector<16xf32>
    %add3A_816 = arith.addf %add3A_809, %gather3A_815 : vector<16xf32>
    %xor3A_817 = arith.constant 1 : i32
    %xor3A_818 = vector.broadcast %xor3A_817 : i32 to vector<16xi32>
    %xor3A_819 = arith.xori %iota3A_795, %xor3A_818 : vector<16xi32>
    %reshape3A_820 = vector.shape_cast %xor3A_819 : vector<16xi32> to vector<16x1xi32>
    %gather3A_821 = vector.shape_cast %reshape3A_820 : vector<16x1xi32> to vector<16xi32>
    %gather3A_822 = tpu.dynamic_gather %add3A_816[%gather3A_821] in [0] : vector<16xf32>, vector<16xi32> -> vector<16xf32>
    %add3A_823 = arith.addf %add3A_816, %gather3A_822 : vector<16xf32>
    %iota3A_824 = tpu.iota {dimensions = array<i32: 0>} : vector<16xi32>
    %xor3A_825 = arith.constant 8 : i32
    %xor3A_826 = vector.broadcast %xor3A_825 : i32 to vector<16xi32>
    %xor3A_827 = arith.xori %iota3A_824, %xor3A_826 : vector<16xi32>
    %reshape3A_828 = vector.shape_cast %xor3A_827 : vector<16xi32> to vector<16x1xi32>
    %gather3A_829 = vector.shape_cast %reshape3A_828 : vector<16x1xi32> to vector<16xi32>
    %gather3A_830 = tpu.dynamic_gather %max3A_769[%gather3A_829] in [0] : vector<16xf32>, vector<16xi32> -> vector<16xf32>
    %max3A_831 = arith.maximumf %max3A_769, %gather3A_830 : vector<16xf32>
    %xor3A_832 = arith.constant 4 : i32
    %xor3A_833 = vector.broadcast %xor3A_832 : i32 to vector<16xi32>
    %xor3A_834 = arith.xori %iota3A_824, %xor3A_833 : vector<16xi32>
    %reshape3A_835 = vector.shape_cast %xor3A_834 : vector<16xi32> to vector<16x1xi32>
    %gather3A_836 = vector.shape_cast %reshape3A_835 : vector<16x1xi32> to vector<16xi32>
    %gather3A_837 = tpu.dynamic_gather %max3A_831[%gather3A_836] in [0] : vector<16xf32>, vector<16xi32> -> vector<16xf32>
    %max3A_838 = arith.maximumf %max3A_831, %gather3A_837 : vector<16xf32>
    %xor3A_839 = arith.constant 2 : i32
    %xor3A_840 = vector.broadcast %xor3A_839 : i32 to vector<16xi32>
    %xor3A_841 = arith.xori %iota3A_824, %xor3A_840 : vector<16xi32>
    %reshape3A_842 = vector.shape_cast %xor3A_841 : vector<16xi32> to vector<16x1xi32>
    %gather3A_843 = vector.shape_cast %reshape3A_842 : vector<16x1xi32> to vector<16xi32>
    %gather3A_844 = tpu.dynamic_gather %max3A_838[%gather3A_843] in [0] : vector<16xf32>, vector<16xi32> -> vector<16xf32>
    %max3A_845 = arith.maximumf %max3A_838, %gather3A_844 : vector<16xf32>
    %xor3A_846 = arith.constant 1 : i32
    %xor3A_847 = vector.broadcast %xor3A_846 : i32 to vector<16xi32>
    %xor3A_848 = arith.xori %iota3A_824, %xor3A_847 : vector<16xi32>
    %reshape3A_849 = vector.shape_cast %xor3A_848 : vector<16xi32> to vector<16x1xi32>
    %gather3A_850 = vector.shape_cast %reshape3A_849 : vector<16x1xi32> to vector<16xi32>
    %gather3A_851 = tpu.dynamic_gather %max3A_845[%gather3A_850] in [0] : vector<16xf32>, vector<16xi32> -> vector<16xf32>
    %max3A_852 = arith.maximumf %max3A_845, %gather3A_851 : vector<16xf32>
    %mul3A_853 = arith.mulf %add3A_794, %add3A_794 : vector<16xf32>
    %div3A = arith.constant 0x4A000000 : f32
    %div3A_854 = vector.broadcast %div3A : f32 to vector<16xf32>
    %div3A_855 = arith.divf %mul3A_853, %div3A_854 : vector<16xf32>
    %sub3A = arith.subf %add3A_823, %div3A_855 : vector<16xf32>
    %sub3A_856 = arith.constant 0x4A000000 : f32
    %sub3A_857 = arith.constant 1.000000e+00 : f32
    %sub3A_858 = arith.subf %sub3A_856, %sub3A_857 : f32
    %div3A_859 = vector.broadcast %sub3A_858 : f32 to vector<16xf32>
    %div3A_860 = arith.divf %sub3A, %div3A_859 : vector<16xf32>
    %bitcast_convert_type3A = tpu.bitcast %div3A_860 : vector<16xf32> -> vector<16xi32>
    %shift_right_logical3A = arith.constant 1 : i32
    %shift_right_logical3A_861 = vector.broadcast %shift_right_logical3A : i32 to vector<16xi32>
    %shift_right_logical3A_862 = arith.shrui %bitcast_convert_type3A, %shift_right_logical3A_861 : vector<16xi32>
    %add3A_863 = arith.constant 532487669 : i32
    %add3A_864 = vector.broadcast %add3A_863 : i32 to vector<16xi32>
    %add3A_865 = arith.addi %shift_right_logical3A_862, %add3A_864 : vector<16xi32>
    %bitcast_convert_type3A_866 = tpu.bitcast %add3A_865 : vector<16xi32> -> vector<16xf32>
    %div3A_867 = arith.divf %div3A_860, %bitcast_convert_type3A_866 : vector<16xf32>
    %add3A_868 = arith.addf %bitcast_convert_type3A_866, %div3A_867 : vector<16xf32>
    %mul3A_869 = arith.constant 5.000000e-01 : f32
    %mul3A_870 = vector.broadcast %mul3A_869 : f32 to vector<16xf32>
    %mul3A_871 = arith.mulf %mul3A_870, %add3A_868 : vector<16xf32>
    %div3A_872 = arith.divf %div3A_860, %mul3A_871 : vector<16xf32>
    %add3A_873 = arith.addf %mul3A_871, %div3A_872 : vector<16xf32>
    %mul3A_874 = arith.constant 5.000000e-01 : f32
    %mul3A_875 = vector.broadcast %mul3A_874 : f32 to vector<16xf32>
    %mul3A_876 = arith.mulf %mul3A_875, %add3A_873 : vector<16xf32>
    %div3A_877 = arith.divf %div3A_860, %mul3A_876 : vector<16xf32>
    %add3A_878 = arith.addf %mul3A_876, %div3A_877 : vector<16xf32>
    %mul3A_879 = arith.constant 5.000000e-01 : f32
    %mul3A_880 = vector.broadcast %mul3A_879 : f32 to vector<16xf32>
    %mul3A_881 = arith.mulf %mul3A_880, %add3A_878 : vector<16xf32>
    %div3A_882 = arith.divf %div3A_860, %mul3A_881 : vector<16xf32>
    %add3A_883 = arith.addf %mul3A_881, %div3A_882 : vector<16xf32>
    %mul3A_884 = arith.constant 5.000000e-01 : f32
    %mul3A_885 = vector.broadcast %mul3A_884 : f32 to vector<16xf32>
    %mul3A_886 = arith.mulf %mul3A_885, %add3A_883 : vector<16xf32>
    %add3A_887 = arith.constant 9.99999997E-7 : f32
    %add3A_888 = vector.broadcast %add3A_887 : f32 to vector<16xf32>
    %add3A_889 = arith.addf %mul3A_886, %add3A_888 : vector<16xf32>
    %div3A_890 = arith.constant 1.000000e+00 : f32
    %div3A_891 = vector.broadcast %div3A_890 : f32 to vector<16xf32>
    %div3A_892 = arith.divf %div3A_891, %add3A_889 : vector<16xf32>
    %mul3A_893 = arith.mulf %max3A_852, %max3A_852 : vector<16xf32>
    %add3A_894 = arith.constant 9.99999997E-7 : f32
    %add3A_895 = vector.broadcast %add3A_894 : f32 to vector<16xf32>
    %add3A_896 = arith.addf %mul3A_893, %add3A_895 : vector<16xf32>
    %div3A_897 = arith.constant 3.000000e-01 : f32
    %div3A_898 = vector.broadcast %div3A_897 : f32 to vector<16xf32>
    %div3A_899 = arith.divf %div3A_898, %add3A_896 : vector<16xf32>
    %scan3A = arith.constant 0 : i32
    %scan3A_900 = arith.constant 0 : i32
    %scan3A_901 = arith.constant 4096 : i32
    %scan3A_902 = arith.addi %scan3A_900, %scan3A_901 : i32
    %scan3A_903 = arith.constant 16 : i32
    %scan3A_904 = scf.for %scan3A_908 = %scan3A_900 to %scan3A_902 step %scan3A_903 iter_args(%scan3A_909 = %scan3A) -> (i32)  : i32 {
      %mul3A_910 = arith.constant 16 : i32
      %mul3A_911 = arith.muli %scan3A_908, %mul3A_910 : i32
      %get3A_912 = arith.index_cast %mul3A_911 : i32 to index
      %get3A_913 = tpu.vector_load %arg5[%get3A_912] {strides = array<i32>} : memref<65536xf32, #tpu.memory_space<vmem>>, vector<16xf32>,
      %get3A_914 = vector.shape_cast %get3A_913 : vector<16xf32> to vector<16xf32>
      %abs3A = math.absf %get3A_914 : vector<16xf32>
      %mul3A_915 = arith.mulf %abs3A, %div3A_892 : vector<16xf32>
      %sub3A_916 = arith.constant 2.000000e+00 : f32
      %sub3A_917 = vector.broadcast %sub3A_916 : f32 to vector<16xf32>
      %sub3A_918 = arith.subf %sub3A_917, %mul3A_915 : vector<16xf32>
      %exp3A = math.exp %sub3A_918 : vector<16xf32>
      %add3A_919 = arith.constant 1.000000e+00 : f32
      %add3A_920 = vector.broadcast %add3A_919 : f32 to vector<16xf32>
      %add3A_921 = arith.addf %add3A_920, %exp3A : vector<16xf32>
      %div3A_922 = arith.constant 5.000000e-01 : f32
      %div3A_923 = vector.broadcast %div3A_922 : f32 to vector<16xf32>
      %div3A_924 = arith.divf %div3A_923, %add3A_921 : vector<16xf32>
      %mul3A_925 = arith.mulf %get3A_914, %get3A_914 : vector<16xf32>
      %mul3A_926 = arith.mulf %div3A_899, %mul3A_925 : vector<16xf32>
      %add3A_927 = arith.addf %div3A_924, %mul3A_926 : vector<16xf32>
      %add3A_928 = arith.constant 0.18096748 : f32
      %add3A_929 = vector.broadcast %add3A_928 : f32 to vector<16xf32>
      %add3A_930 = arith.addf %add3A_927, %add3A_929 : vector<16xf32>
      %mul3A_931 = arith.constant 16 : i32
      %mul3A_932 = arith.muli %scan3A_908, %mul3A_931 : i32
      %swap3A = arith.index_cast %mul3A_932 : i32 to index
      %swap3A_933 = tpu.vector_load %arg5[%swap3A] {strides = array<i32>} : memref<65536xf32, #tpu.memory_space<vmem>>, vector<16xf32>,
      %swap3A_934 = vector.shape_cast %swap3A_933 : vector<16xf32> to vector<16xf32>
      %swap3A_935 = vector.shape_cast %add3A_930 : vector<16xf32> to vector<16xf32>
      tpu.vector_store %arg5[%swap3A], %swap3A_935 {strides = array<i32>} : memref<65536xf32, #tpu.memory_space<vmem>>, vector<16xf32>,
      %scan3A_936 = arith.constant 0 : i32
      %scan3A_937 = arith.constant 1 : i32
      %scan3A_938 = arith.addi %scan3A_908, %scan3A_937 : i32
      %mul3A_939 = arith.constant 16 : i32
      %mul3A_940 = arith.muli %scan3A_938, %mul3A_939 : i32
      %get3A_941 = arith.index_cast %mul3A_940 : i32 to index
      %get3A_942 = tpu.vector_load %arg5[%get3A_941] {strides = array<i32>} : memref<65536xf32, #tpu.memory_space<vmem>>, vector<16xf32>,
      %get3A_943 = vector.shape_cast %get3A_942 : vector<16xf32> to vector<16xf32>
      %abs3A_944 = math.absf %get3A_943 : vector<16xf32>
      %mul3A_945 = arith.mulf %abs3A_944, %div3A_892 : vector<16xf32>
      %sub3A_946 = arith.constant 2.000000e+00 : f32
      %sub3A_947 = vector.broadcast %sub3A_946 : f32 to vector<16xf32>
      %sub3A_948 = arith.subf %sub3A_947, %mul3A_945 : vector<16xf32>
      %exp3A_949 = math.exp %sub3A_948 : vector<16xf32>
      %add3A_950 = arith.constant 1.000000e+00 : f32
      %add3A_951 = vector.broadcast %add3A_950 : f32 to vector<16xf32>
      %add3A_952 = arith.addf %add3A_951, %exp3A_949 : vector<16xf32>
      %div3A_953 = arith.constant 5.000000e-01 : f32
      %div3A_954 = vector.broadcast %div3A_953 : f32 to vector<16xf32>
      %div3A_955 = arith.divf %div3A_954, %add3A_952 : vector<16xf32>
      %mul3A_956 = arith.mulf %get3A_943, %get3A_943 : vector<16xf32>
      %mul3A_957 = arith.mulf %div3A_899, %mul3A_956 : vector<16xf32>
      %add3A_958 = arith.addf %div3A_955, %mul3A_957 : vector<16xf32>
      %add3A_959 = arith.constant 0.18096748 : f32
      %add3A_960 = vector.broadcast %add3A_959 : f32 to vector<16xf32>
      %add3A_961 = arith.addf %add3A_958, %add3A_960 : vector<16xf32>
      %mul3A_962 = arith.constant 16 : i32
      %mul3A_963 = arith.muli %scan3A_938, %mul3A_962 : i32
      %swap3A_964 = arith.index_cast %mul3A_963 : i32 to index
      %swap3A_965 = tpu.vector_load %arg5[%swap3A_964] {strides = array<i32>} : memref<65536xf32, #tpu.memory_space<vmem>>, vector<16xf32>,
      %swap3A_966 = vector.shape_cast %swap3A_965 : vector<16xf32> to vector<16xf32>
      %swap3A_967 = vector.shape_cast %add3A_961 : vector<16xf32> to vector<16xf32>
      tpu.vector_store %arg5[%swap3A_964], %swap3A_967 {strides = array<i32>} : memref<65536xf32, #tpu.memory_space<vmem>>, vector<16xf32>,
      %scan3A_968 = arith.constant 0 : i32
      %scan3A_969 = arith.constant 2 : i32
      %scan3A_970 = arith.addi %scan3A_908, %scan3A_969 : i32
      %mul3A_971 = arith.constant 16 : i32
      %mul3A_972 = arith.muli %scan3A_970, %mul3A_971 : i32
      %get3A_973 = arith.index_cast %mul3A_972 : i32 to index
      %get3A_974 = tpu.vector_load %arg5[%get3A_973] {strides = array<i32>} : memref<65536xf32, #tpu.memory_space<vmem>>, vector<16xf32>,
      %get3A_975 = vector.shape_cast %get3A_974 : vector<16xf32> to vector<16xf32>
      %abs3A_976 = math.absf %get3A_975 : vector<16xf32>
      %mul3A_977 = arith.mulf %abs3A_976, %div3A_892 : vector<16xf32>
      %sub3A_978 = arith.constant 2.000000e+00 : f32
      %sub3A_979 = vector.broadcast %sub3A_978 : f32 to vector<16xf32>
      %sub3A_980 = arith.subf %sub3A_979, %mul3A_977 : vector<16xf32>
      %exp3A_981 = math.exp %sub3A_980 : vector<16xf32>
      %add3A_982 = arith.constant 1.000000e+00 : f32
      %add3A_983 = vector.broadcast %add3A_982 : f32 to vector<16xf32>
      %add3A_984 = arith.addf %add3A_983, %exp3A_981 : vector<16xf32>
      %div3A_985 = arith.constant 5.000000e-01 : f32
      %div3A_986 = vector.broadcast %div3A_985 : f32 to vector<16xf32>
      %div3A_987 = arith.divf %div3A_986, %add3A_984 : vector<16xf32>
      %mul3A_988 = arith.mulf %get3A_975, %get3A_975 : vector<16xf32>
      %mul3A_989 = arith.mulf %div3A_899, %mul3A_988 : vector<16xf32>
      %add3A_990 = arith.addf %div3A_987, %mul3A_989 : vector<16xf32>
      %add3A_991 = arith.constant 0.18096748 : f32
      %add3A_992 = vector.broadcast %add3A_991 : f32 to vector<16xf32>
      %add3A_993 = arith.addf %add3A_990, %add3A_992 : vector<16xf32>
      %mul3A_994 = arith.constant 16 : i32
      %mul3A_995 = arith.muli %scan3A_970, %mul3A_994 : i32
      %swap3A_996 = arith.index_cast %mul3A_995 : i32 to index
      %swap3A_997 = tpu.vector_load %arg5[%swap3A_996] {strides = array<i32>} : memref<65536xf32, #tpu.memory_space<vmem>>, vector<16xf32>,
      %swap3A_998 = vector.shape_cast %swap3A_997 : vector<16xf32> to vector<16xf32>
      %swap3A_999 = vector.shape_cast %add3A_993 : vector<16xf32> to vector<16xf32>
      tpu.vector_store %arg5[%swap3A_996], %swap3A_999 {strides = array<i32>} : memref<65536xf32, #tpu.memory_space<vmem>>, vector<16xf32>,
      %scan3A_1000 = arith.constant 0 : i32
      %scan3A_1001 = arith.constant 3 : i32
      %scan3A_1002 = arith.addi %scan3A_908, %scan3A_1001 : i32
      %mul3A_1003 = arith.constant 16 : i32
      %mul3A_1004 = arith.muli %scan3A_1002, %mul3A_1003 : i32
      %get3A_1005 = arith.index_cast %mul3A_1004 : i32 to index
      %get3A_1006 = tpu.vector_load %arg5[%get3A_1005] {strides = array<i32>} : memref<65536xf32, #tpu.memory_space<vmem>>, vector<16xf32>,
      %get3A_1007 = vector.shape_cast %get3A_1006 : vector<16xf32> to vector<16xf32>
      %abs3A_1008 = math.absf %get3A_1007 : vector<16xf32>
      %mul3A_1009 = arith.mulf %abs3A_1008, %div3A_892 : vector<16xf32>
      %sub3A_1010 = arith.constant 2.000000e+00 : f32
      %sub3A_1011 = vector.broadcast %sub3A_1010 : f32 to vector<16xf32>
      %sub3A_1012 = arith.subf %sub3A_1011, %mul3A_1009 : vector<16xf32>
      %exp3A_1013 = math.exp %sub3A_1012 : vector<16xf32>
      %add3A_1014 = arith.constant 1.000000e+00 : f32
      %add3A_1015 = vector.broadcast %add3A_1014 : f32 to vector<16xf32>
      %add3A_1016 = arith.addf %add3A_1015, %exp3A_1013 : vector<16xf32>
      %div3A_1017 = arith.constant 5.000000e-01 : f32
      %div3A_1018 = vector.broadcast %div3A_1017 : f32 to vector<16xf32>
      %div3A_1019 = arith.divf %div3A_1018, %add3A_1016 : vector<16xf32>
      %mul3A_1020 = arith.mulf %get3A_1007, %get3A_1007 : vector<16xf32>
      %mul3A_1021 = arith.mulf %div3A_899, %mul3A_1020 : vector<16xf32>
      %add3A_1022 = arith.addf %div3A_1019, %mul3A_1021 : vector<16xf32>
      %add3A_1023 = arith.constant 0.18096748 : f32
      %add3A_1024 = vector.broadcast %add3A_1023 : f32 to vector<16xf32>
      %add3A_1025 = arith.addf %add3A_1022, %add3A_1024 : vector<16xf32>
      %mul3A_1026 = arith.constant 16 : i32
      %mul3A_1027 = arith.muli %scan3A_1002, %mul3A_1026 : i32
      %swap3A_1028 = arith.index_cast %mul3A_1027 : i32 to index
      %swap3A_1029 = tpu.vector_load %arg5[%swap3A_1028] {strides = array<i32>} : memref<65536xf32, #tpu.memory_space<vmem>>, vector<16xf32>,
      %swap3A_1030 = vector.shape_cast %swap3A_1029 : vector<16xf32> to vector<16xf32>
      %swap3A_1031 = vector.shape_cast %add3A_1025 : vector<16xf32> to vector<16xf32>
      tpu.vector_store %arg5[%swap3A_1028], %swap3A_1031 {strides = array<i32>} : memref<65536xf32, #tpu.memory_space<vmem>>, vector<16xf32>,
      %scan3A_1032 = arith.constant 0 : i32
      %scan3A_1033 = arith.constant 4 : i32
      %scan3A_1034 = arith.addi %scan3A_908, %scan3A_1033 : i32
      %mul3A_1035 = arith.constant 16 : i32
      %mul3A_1036 = arith.muli %scan3A_1034, %mul3A_1035 : i32
      %get3A_1037 = arith.index_cast %mul3A_1036 : i32 to index
      %get3A_1038 = tpu.vector_load %arg5[%get3A_1037] {strides = array<i32>} : memref<65536xf32, #tpu.memory_space<vmem>>, vector<16xf32>,
      %get3A_1039 = vector.shape_cast %get3A_1038 : vector<16xf32> to vector<16xf32>
      %abs3A_1040 = math.absf %get3A_1039 : vector<16xf32>
      %mul3A_1041 = arith.mulf %abs3A_1040, %div3A_892 : vector<16xf32>
      %sub3A_1042 = arith.constant 2.000000e+00 : f32
      %sub3A_1043 = vector.broadcast %sub3A_1042 : f32 to vector<16xf32>
      %sub3A_1044 = arith.subf %sub3A_1043, %mul3A_1041 : vector<16xf32>
      %exp3A_1045 = math.exp %sub3A_1044 : vector<16xf32>
      %add3A_1046 = arith.constant 1.000000e+00 : f32
      %add3A_1047 = vector.broadcast %add3A_1046 : f32 to vector<16xf32>
      %add3A_1048 = arith.addf %add3A_1047, %exp3A_1045 : vector<16xf32>
      %div3A_1049 = arith.constant 5.000000e-01 : f32
      %div3A_1050 = vector.broadcast %div3A_1049 : f32 to vector<16xf32>
      %div3A_1051 = arith.divf %div3A_1050, %add3A_1048 : vector<16xf32>
      %mul3A_1052 = arith.mulf %get3A_1039, %get3A_1039 : vector<16xf32>
      %mul3A_1053 = arith.mulf %div3A_899, %mul3A_1052 : vector<16xf32>
      %add3A_1054 = arith.addf %div3A_1051, %mul3A_1053 : vector<16xf32>
      %add3A_1055 = arith.constant 0.18096748 : f32
      %add3A_1056 = vector.broadcast %add3A_1055 : f32 to vector<16xf32>
      %add3A_1057 = arith.addf %add3A_1054, %add3A_1056 : vector<16xf32>
      %mul3A_1058 = arith.constant 16 : i32
      %mul3A_1059 = arith.muli %scan3A_1034, %mul3A_1058 : i32
      %swap3A_1060 = arith.index_cast %mul3A_1059 : i32 to index
      %swap3A_1061 = tpu.vector_load %arg5[%swap3A_1060] {strides = array<i32>} : memref<65536xf32, #tpu.memory_space<vmem>>, vector<16xf32>,
      %swap3A_1062 = vector.shape_cast %swap3A_1061 : vector<16xf32> to vector<16xf32>
      %swap3A_1063 = vector.shape_cast %add3A_1057 : vector<16xf32> to vector<16xf32>
      tpu.vector_store %arg5[%swap3A_1060], %swap3A_1063 {strides = array<i32>} : memref<65536xf32, #tpu.memory_space<vmem>>, vector<16xf32>,
      %scan3A_1064 = arith.constant 0 : i32
      %scan3A_1065 = arith.constant 5 : i32
      %scan3A_1066 = arith.addi %scan3A_908, %scan3A_1065 : i32
      %mul3A_1067 = arith.constant 16 : i32
      %mul3A_1068 = arith.muli %scan3A_1066, %mul3A_1067 : i32
      %get3A_1069 = arith.index_cast %mul3A_1068 : i32 to index
      %get3A_1070 = tpu.vector_load %arg5[%get3A_1069] {strides = array<i32>} : memref<65536xf32, #tpu.memory_space<vmem>>, vector<16xf32>,
      %get3A_1071 = vector.shape_cast %get3A_1070 : vector<16xf32> to vector<16xf32>
      %abs3A_1072 = math.absf %get3A_1071 : vector<16xf32>
      %mul3A_1073 = arith.mulf %abs3A_1072, %div3A_892 : vector<16xf32>
      %sub3A_1074 = arith.constant 2.000000e+00 : f32
      %sub3A_1075 = vector.broadcast %sub3A_1074 : f32 to vector<16xf32>
      %sub3A_1076 = arith.subf %sub3A_1075, %mul3A_1073 : vector<16xf32>
      %exp3A_1077 = math.exp %sub3A_1076 : vector<16xf32>
      %add3A_1078 = arith.constant 1.000000e+00 : f32
      %add3A_1079 = vector.broadcast %add3A_1078 : f32 to vector<16xf32>
      %add3A_1080 = arith.addf %add3A_1079, %exp3A_1077 : vector<16xf32>
      %div3A_1081 = arith.constant 5.000000e-01 : f32
      %div3A_1082 = vector.broadcast %div3A_1081 : f32 to vector<16xf32>
      %div3A_1083 = arith.divf %div3A_1082, %add3A_1080 : vector<16xf32>
      %mul3A_1084 = arith.mulf %get3A_1071, %get3A_1071 : vector<16xf32>
      %mul3A_1085 = arith.mulf %div3A_899, %mul3A_1084 : vector<16xf32>
      %add3A_1086 = arith.addf %div3A_1083, %mul3A_1085 : vector<16xf32>
      %add3A_1087 = arith.constant 0.18096748 : f32
      %add3A_1088 = vector.broadcast %add3A_1087 : f32 to vector<16xf32>
      %add3A_1089 = arith.addf %add3A_1086, %add3A_1088 : vector<16xf32>
      %mul3A_1090 = arith.constant 16 : i32
      %mul3A_1091 = arith.muli %scan3A_1066, %mul3A_1090 : i32
      %swap3A_1092 = arith.index_cast %mul3A_1091 : i32 to index
      %swap3A_1093 = tpu.vector_load %arg5[%swap3A_1092] {strides = array<i32>} : memref<65536xf32, #tpu.memory_space<vmem>>, vector<16xf32>,
      %swap3A_1094 = vector.shape_cast %swap3A_1093 : vector<16xf32> to vector<16xf32>
      %swap3A_1095 = vector.shape_cast %add3A_1089 : vector<16xf32> to vector<16xf32>
      tpu.vector_store %arg5[%swap3A_1092], %swap3A_1095 {strides = array<i32>} : memref<65536xf32, #tpu.memory_space<vmem>>, vector<16xf32>,
      %scan3A_1096 = arith.constant 0 : i32
      %scan3A_1097 = arith.constant 6 : i32
      %scan3A_1098 = arith.addi %scan3A_908, %scan3A_1097 : i32
      %mul3A_1099 = arith.constant 16 : i32
      %mul3A_1100 = arith.muli %scan3A_1098, %mul3A_1099 : i32
      %get3A_1101 = arith.index_cast %mul3A_1100 : i32 to index
      %get3A_1102 = tpu.vector_load %arg5[%get3A_1101] {strides = array<i32>} : memref<65536xf32, #tpu.memory_space<vmem>>, vector<16xf32>,
      %get3A_1103 = vector.shape_cast %get3A_1102 : vector<16xf32> to vector<16xf32>
      %abs3A_1104 = math.absf %get3A_1103 : vector<16xf32>
      %mul3A_1105 = arith.mulf %abs3A_1104, %div3A_892 : vector<16xf32>
      %sub3A_1106 = arith.constant 2.000000e+00 : f32
      %sub3A_1107 = vector.broadcast %sub3A_1106 : f32 to vector<16xf32>
      %sub3A_1108 = arith.subf %sub3A_1107, %mul3A_1105 : vector<16xf32>
      %exp3A_1109 = math.exp %sub3A_1108 : vector<16xf32>
      %add3A_1110 = arith.constant 1.000000e+00 : f32
      %add3A_1111 = vector.broadcast %add3A_1110 : f32 to vector<16xf32>
      %add3A_1112 = arith.addf %add3A_1111, %exp3A_1109 : vector<16xf32>
      %div3A_1113 = arith.constant 5.000000e-01 : f32
      %div3A_1114 = vector.broadcast %div3A_1113 : f32 to vector<16xf32>
      %div3A_1115 = arith.divf %div3A_1114, %add3A_1112 : vector<16xf32>
      %mul3A_1116 = arith.mulf %get3A_1103, %get3A_1103 : vector<16xf32>
      %mul3A_1117 = arith.mulf %div3A_899, %mul3A_1116 : vector<16xf32>
      %add3A_1118 = arith.addf %div3A_1115, %mul3A_1117 : vector<16xf32>
      %add3A_1119 = arith.constant 0.18096748 : f32
      %add3A_1120 = vector.broadcast %add3A_1119 : f32 to vector<16xf32>
      %add3A_1121 = arith.addf %add3A_1118, %add3A_1120 : vector<16xf32>
      %mul3A_1122 = arith.constant 16 : i32
      %mul3A_1123 = arith.muli %scan3A_1098, %mul3A_1122 : i32
      %swap3A_1124 = arith.index_cast %mul3A_1123 : i32 to index
      %swap3A_1125 = tpu.vector_load %arg5[%swap3A_1124] {strides = array<i32>} : memref<65536xf32, #tpu.memory_space<vmem>>, vector<16xf32>,
      %swap3A_1126 = vector.shape_cast %swap3A_1125 : vector<16xf32> to vector<16xf32>
      %swap3A_1127 = vector.shape_cast %add3A_1121 : vector<16xf32> to vector<16xf32>
      tpu.vector_store %arg5[%swap3A_1124], %swap3A_1127 {strides = array<i32>} : memref<65536xf32, #tpu.memory_space<vmem>>, vector<16xf32>,
      %scan3A_1128 = arith.constant 0 : i32
      %scan3A_1129 = arith.constant 7 : i32
      %scan3A_1130 = arith.addi %scan3A_908, %scan3A_1129 : i32
      %mul3A_1131 = arith.constant 16 : i32
      %mul3A_1132 = arith.muli %scan3A_1130, %mul3A_1131 : i32
      %get3A_1133 = arith.index_cast %mul3A_1132 : i32 to index
      %get3A_1134 = tpu.vector_load %arg5[%get3A_1133] {strides = array<i32>} : memref<65536xf32, #tpu.memory_space<vmem>>, vector<16xf32>,
      %get3A_1135 = vector.shape_cast %get3A_1134 : vector<16xf32> to vector<16xf32>
      %abs3A_1136 = math.absf %get3A_1135 : vector<16xf32>
      %mul3A_1137 = arith.mulf %abs3A_1136, %div3A_892 : vector<16xf32>
      %sub3A_1138 = arith.constant 2.000000e+00 : f32
      %sub3A_1139 = vector.broadcast %sub3A_1138 : f32 to vector<16xf32>
      %sub3A_1140 = arith.subf %sub3A_1139, %mul3A_1137 : vector<16xf32>
      %exp3A_1141 = math.exp %sub3A_1140 : vector<16xf32>
      %add3A_1142 = arith.constant 1.000000e+00 : f32
      %add3A_1143 = vector.broadcast %add3A_1142 : f32 to vector<16xf32>
      %add3A_1144 = arith.addf %add3A_1143, %exp3A_1141 : vector<16xf32>
      %div3A_1145 = arith.constant 5.000000e-01 : f32
      %div3A_1146 = vector.broadcast %div3A_1145 : f32 to vector<16xf32>
      %div3A_1147 = arith.divf %div3A_1146, %add3A_1144 : vector<16xf32>
      %mul3A_1148 = arith.mulf %get3A_1135, %get3A_1135 : vector<16xf32>
      %mul3A_1149 = arith.mulf %div3A_899, %mul3A_1148 : vector<16xf32>
      %add3A_1150 = arith.addf %div3A_1147, %mul3A_1149 : vector<16xf32>
      %add3A_1151 = arith.constant 0.18096748 : f32
      %add3A_1152 = vector.broadcast %add3A_1151 : f32 to vector<16xf32>
      %add3A_1153 = arith.addf %add3A_1150, %add3A_1152 : vector<16xf32>
      %mul3A_1154 = arith.constant 16 : i32
      %mul3A_1155 = arith.muli %scan3A_1130, %mul3A_1154 : i32
      %swap3A_1156 = arith.index_cast %mul3A_1155 : i32 to index
      %swap3A_1157 = tpu.vector_load %arg5[%swap3A_1156] {strides = array<i32>} : memref<65536xf32, #tpu.memory_space<vmem>>, vector<16xf32>,
      %swap3A_1158 = vector.shape_cast %swap3A_1157 : vector<16xf32> to vector<16xf32>
      %swap3A_1159 = vector.shape_cast %add3A_1153 : vector<16xf32> to vector<16xf32>
      tpu.vector_store %arg5[%swap3A_1156], %swap3A_1159 {strides = array<i32>} : memref<65536xf32, #tpu.memory_space<vmem>>, vector<16xf32>,
      %scan3A_1160 = arith.constant 0 : i32
      %scan3A_1161 = arith.constant 8 : i32
      %scan3A_1162 = arith.addi %scan3A_908, %scan3A_1161 : i32
      %mul3A_1163 = arith.constant 16 : i32
      %mul3A_1164 = arith.muli %scan3A_1162, %mul3A_1163 : i32
      %get3A_1165 = arith.index_cast %mul3A_1164 : i32 to index
      %get3A_1166 = tpu.vector_load %arg5[%get3A_1165] {strides = array<i32>} : memref<65536xf32, #tpu.memory_space<vmem>>, vector<16xf32>,
      %get3A_1167 = vector.shape_cast %get3A_1166 : vector<16xf32> to vector<16xf32>
      %abs3A_1168 = math.absf %get3A_1167 : vector<16xf32>
      %mul3A_1169 = arith.mulf %abs3A_1168, %div3A_892 : vector<16xf32>
      %sub3A_1170 = arith.constant 2.000000e+00 : f32
      %sub3A_1171 = vector.broadcast %sub3A_1170 : f32 to vector<16xf32>
      %sub3A_1172 = arith.subf %sub3A_1171, %mul3A_1169 : vector<16xf32>
      %exp3A_1173 = math.exp %sub3A_1172 : vector<16xf32>
      %add3A_1174 = arith.constant 1.000000e+00 : f32
      %add3A_1175 = vector.broadcast %add3A_1174 : f32 to vector<16xf32>
      %add3A_1176 = arith.addf %add3A_1175, %exp3A_1173 : vector<16xf32>
      %div3A_1177 = arith.constant 5.000000e-01 : f32
      %div3A_1178 = vector.broadcast %div3A_1177 : f32 to vector<16xf32>
      %div3A_1179 = arith.divf %div3A_1178, %add3A_1176 : vector<16xf32>
      %mul3A_1180 = arith.mulf %get3A_1167, %get3A_1167 : vector<16xf32>
      %mul3A_1181 = arith.mulf %div3A_899, %mul3A_1180 : vector<16xf32>
      %add3A_1182 = arith.addf %div3A_1179, %mul3A_1181 : vector<16xf32>
      %add3A_1183 = arith.constant 0.18096748 : f32
      %add3A_1184 = vector.broadcast %add3A_1183 : f32 to vector<16xf32>
      %add3A_1185 = arith.addf %add3A_1182, %add3A_1184 : vector<16xf32>
      %mul3A_1186 = arith.constant 16 : i32
      %mul3A_1187 = arith.muli %scan3A_1162, %mul3A_1186 : i32
      %swap3A_1188 = arith.index_cast %mul3A_1187 : i32 to index
      %swap3A_1189 = tpu.vector_load %arg5[%swap3A_1188] {strides = array<i32>} : memref<65536xf32, #tpu.memory_space<vmem>>, vector<16xf32>,
      %swap3A_1190 = vector.shape_cast %swap3A_1189 : vector<16xf32> to vector<16xf32>
      %swap3A_1191 = vector.shape_cast %add3A_1185 : vector<16xf32> to vector<16xf32>
      tpu.vector_store %arg5[%swap3A_1188], %swap3A_1191 {strides = array<i32>} : memref<65536xf32, #tpu.memory_space<vmem>>, vector<16xf32>,
      %scan3A_1192 = arith.constant 0 : i32
      %scan3A_1193 = arith.constant 9 : i32
      %scan3A_1194 = arith.addi %scan3A_908, %scan3A_1193 : i32
      %mul3A_1195 = arith.constant 16 : i32
      %mul3A_1196 = arith.muli %scan3A_1194, %mul3A_1195 : i32
      %get3A_1197 = arith.index_cast %mul3A_1196 : i32 to index
      %get3A_1198 = tpu.vector_load %arg5[%get3A_1197] {strides = array<i32>} : memref<65536xf32, #tpu.memory_space<vmem>>, vector<16xf32>,
      %get3A_1199 = vector.shape_cast %get3A_1198 : vector<16xf32> to vector<16xf32>
      %abs3A_1200 = math.absf %get3A_1199 : vector<16xf32>
      %mul3A_1201 = arith.mulf %abs3A_1200, %div3A_892 : vector<16xf32>
      %sub3A_1202 = arith.constant 2.000000e+00 : f32
      %sub3A_1203 = vector.broadcast %sub3A_1202 : f32 to vector<16xf32>
      %sub3A_1204 = arith.subf %sub3A_1203, %mul3A_1201 : vector<16xf32>
      %exp3A_1205 = math.exp %sub3A_1204 : vector<16xf32>
      %add3A_1206 = arith.constant 1.000000e+00 : f32
      %add3A_1207 = vector.broadcast %add3A_1206 : f32 to vector<16xf32>
      %add3A_1208 = arith.addf %add3A_1207, %exp3A_1205 : vector<16xf32>
      %div3A_1209 = arith.constant 5.000000e-01 : f32
      %div3A_1210 = vector.broadcast %div3A_1209 : f32 to vector<16xf32>
      %div3A_1211 = arith.divf %div3A_1210, %add3A_1208 : vector<16xf32>
      %mul3A_1212 = arith.mulf %get3A_1199, %get3A_1199 : vector<16xf32>
      %mul3A_1213 = arith.mulf %div3A_899, %mul3A_1212 : vector<16xf32>
      %add3A_1214 = arith.addf %div3A_1211, %mul3A_1213 : vector<16xf32>
      %add3A_1215 = arith.constant 0.18096748 : f32
      %add3A_1216 = vector.broadcast %add3A_1215 : f32 to vector<16xf32>
      %add3A_1217 = arith.addf %add3A_1214, %add3A_1216 : vector<16xf32>
      %mul3A_1218 = arith.constant 16 : i32
      %mul3A_1219 = arith.muli %scan3A_1194, %mul3A_1218 : i32
      %swap3A_1220 = arith.index_cast %mul3A_1219 : i32 to index
      %swap3A_1221 = tpu.vector_load %arg5[%swap3A_1220] {strides = array<i32>} : memref<65536xf32, #tpu.memory_space<vmem>>, vector<16xf32>,
      %swap3A_1222 = vector.shape_cast %swap3A_1221 : vector<16xf32> to vector<16xf32>
      %swap3A_1223 = vector.shape_cast %add3A_1217 : vector<16xf32> to vector<16xf32>
      tpu.vector_store %arg5[%swap3A_1220], %swap3A_1223 {strides = array<i32>} : memref<65536xf32, #tpu.memory_space<vmem>>, vector<16xf32>,
      %scan3A_1224 = arith.constant 0 : i32
      %scan3A_1225 = arith.constant 10 : i32
      %scan3A_1226 = arith.addi %scan3A_908, %scan3A_1225 : i32
      %mul3A_1227 = arith.constant 16 : i32
      %mul3A_1228 = arith.muli %scan3A_1226, %mul3A_1227 : i32
      %get3A_1229 = arith.index_cast %mul3A_1228 : i32 to index
      %get3A_1230 = tpu.vector_load %arg5[%get3A_1229] {strides = array<i32>} : memref<65536xf32, #tpu.memory_space<vmem>>, vector<16xf32>,
      %get3A_1231 = vector.shape_cast %get3A_1230 : vector<16xf32> to vector<16xf32>
      %abs3A_1232 = math.absf %get3A_1231 : vector<16xf32>
      %mul3A_1233 = arith.mulf %abs3A_1232, %div3A_892 : vector<16xf32>
      %sub3A_1234 = arith.constant 2.000000e+00 : f32
      %sub3A_1235 = vector.broadcast %sub3A_1234 : f32 to vector<16xf32>
      %sub3A_1236 = arith.subf %sub3A_1235, %mul3A_1233 : vector<16xf32>
      %exp3A_1237 = math.exp %sub3A_1236 : vector<16xf32>
      %add3A_1238 = arith.constant 1.000000e+00 : f32
      %add3A_1239 = vector.broadcast %add3A_1238 : f32 to vector<16xf32>
      %add3A_1240 = arith.addf %add3A_1239, %exp3A_1237 : vector<16xf32>
      %div3A_1241 = arith.constant 5.000000e-01 : f32
      %div3A_1242 = vector.broadcast %div3A_1241 : f32 to vector<16xf32>
      %div3A_1243 = arith.divf %div3A_1242, %add3A_1240 : vector<16xf32>
      %mul3A_1244 = arith.mulf %get3A_1231, %get3A_1231 : vector<16xf32>
      %mul3A_1245 = arith.mulf %div3A_899, %mul3A_1244 : vector<16xf32>
      %add3A_1246 = arith.addf %div3A_1243, %mul3A_1245 : vector<16xf32>
      %add3A_1247 = arith.constant 0.18096748 : f32
      %add3A_1248 = vector.broadcast %add3A_1247 : f32 to vector<16xf32>
      %add3A_1249 = arith.addf %add3A_1246, %add3A_1248 : vector<16xf32>
      %mul3A_1250 = arith.constant 16 : i32
      %mul3A_1251 = arith.muli %scan3A_1226, %mul3A_1250 : i32
      %swap3A_1252 = arith.index_cast %mul3A_1251 : i32 to index
      %swap3A_1253 = tpu.vector_load %arg5[%swap3A_1252] {strides = array<i32>} : memref<65536xf32, #tpu.memory_space<vmem>>, vector<16xf32>,
      %swap3A_1254 = vector.shape_cast %swap3A_1253 : vector<16xf32> to vector<16xf32>
      %swap3A_1255 = vector.shape_cast %add3A_1249 : vector<16xf32> to vector<16xf32>
      tpu.vector_store %arg5[%swap3A_1252], %swap3A_1255 {strides = array<i32>} : memref<65536xf32, #tpu.memory_space<vmem>>, vector<16xf32>,
      %scan3A_1256 = arith.constant 0 : i32
      %scan3A_1257 = arith.constant 11 : i32
      %scan3A_1258 = arith.addi %scan3A_908, %scan3A_1257 : i32
      %mul3A_1259 = arith.constant 16 : i32
      %mul3A_1260 = arith.muli %scan3A_1258, %mul3A_1259 : i32
      %get3A_1261 = arith.index_cast %mul3A_1260 : i32 to index
      %get3A_1262 = tpu.vector_load %arg5[%get3A_1261] {strides = array<i32>} : memref<65536xf32, #tpu.memory_space<vmem>>, vector<16xf32>,
      %get3A_1263 = vector.shape_cast %get3A_1262 : vector<16xf32> to vector<16xf32>
      %abs3A_1264 = math.absf %get3A_1263 : vector<16xf32>
      %mul3A_1265 = arith.mulf %abs3A_1264, %div3A_892 : vector<16xf32>
      %sub3A_1266 = arith.constant 2.000000e+00 : f32
      %sub3A_1267 = vector.broadcast %sub3A_1266 : f32 to vector<16xf32>
      %sub3A_1268 = arith.subf %sub3A_1267, %mul3A_1265 : vector<16xf32>
      %exp3A_1269 = math.exp %sub3A_1268 : vector<16xf32>
      %add3A_1270 = arith.constant 1.000000e+00 : f32
      %add3A_1271 = vector.broadcast %add3A_1270 : f32 to vector<16xf32>
      %add3A_1272 = arith.addf %add3A_1271, %exp3A_1269 : vector<16xf32>
      %div3A_1273 = arith.constant 5.000000e-01 : f32
      %div3A_1274 = vector.broadcast %div3A_1273 : f32 to vector<16xf32>
      %div3A_1275 = arith.divf %div3A_1274, %add3A_1272 : vector<16xf32>
      %mul3A_1276 = arith.mulf %get3A_1263, %get3A_1263 : vector<16xf32>
      %mul3A_1277 = arith.mulf %div3A_899, %mul3A_1276 : vector<16xf32>
      %add3A_1278 = arith.addf %div3A_1275, %mul3A_1277 : vector<16xf32>
      %add3A_1279 = arith.constant 0.18096748 : f32
      %add3A_1280 = vector.broadcast %add3A_1279 : f32 to vector<16xf32>
      %add3A_1281 = arith.addf %add3A_1278, %add3A_1280 : vector<16xf32>
      %mul3A_1282 = arith.constant 16 : i32
      %mul3A_1283 = arith.muli %scan3A_1258, %mul3A_1282 : i32
      %swap3A_1284 = arith.index_cast %mul3A_1283 : i32 to index
      %swap3A_1285 = tpu.vector_load %arg5[%swap3A_1284] {strides = array<i32>} : memref<65536xf32, #tpu.memory_space<vmem>>, vector<16xf32>,
      %swap3A_1286 = vector.shape_cast %swap3A_1285 : vector<16xf32> to vector<16xf32>
      %swap3A_1287 = vector.shape_cast %add3A_1281 : vector<16xf32> to vector<16xf32>
      tpu.vector_store %arg5[%swap3A_1284], %swap3A_1287 {strides = array<i32>} : memref<65536xf32, #tpu.memory_space<vmem>>, vector<16xf32>,
      %scan3A_1288 = arith.constant 0 : i32
      %scan3A_1289 = arith.constant 12 : i32
      %scan3A_1290 = arith.addi %scan3A_908, %scan3A_1289 : i32
      %mul3A_1291 = arith.constant 16 : i32
      %mul3A_1292 = arith.muli %scan3A_1290, %mul3A_1291 : i32
      %get3A_1293 = arith.index_cast %mul3A_1292 : i32 to index
      %get3A_1294 = tpu.vector_load %arg5[%get3A_1293] {strides = array<i32>} : memref<65536xf32, #tpu.memory_space<vmem>>, vector<16xf32>,
      %get3A_1295 = vector.shape_cast %get3A_1294 : vector<16xf32> to vector<16xf32>
      %abs3A_1296 = math.absf %get3A_1295 : vector<16xf32>
      %mul3A_1297 = arith.mulf %abs3A_1296, %div3A_892 : vector<16xf32>
      %sub3A_1298 = arith.constant 2.000000e+00 : f32
      %sub3A_1299 = vector.broadcast %sub3A_1298 : f32 to vector<16xf32>
      %sub3A_1300 = arith.subf %sub3A_1299, %mul3A_1297 : vector<16xf32>
      %exp3A_1301 = math.exp %sub3A_1300 : vector<16xf32>
      %add3A_1302 = arith.constant 1.000000e+00 : f32
      %add3A_1303 = vector.broadcast %add3A_1302 : f32 to vector<16xf32>
      %add3A_1304 = arith.addf %add3A_1303, %exp3A_1301 : vector<16xf32>
      %div3A_1305 = arith.constant 5.000000e-01 : f32
      %div3A_1306 = vector.broadcast %div3A_1305 : f32 to vector<16xf32>
      %div3A_1307 = arith.divf %div3A_1306, %add3A_1304 : vector<16xf32>
      %mul3A_1308 = arith.mulf %get3A_1295, %get3A_1295 : vector<16xf32>
      %mul3A_1309 = arith.mulf %div3A_899, %mul3A_1308 : vector<16xf32>
      %add3A_1310 = arith.addf %div3A_1307, %mul3A_1309 : vector<16xf32>
      %add3A_1311 = arith.constant 0.18096748 : f32
      %add3A_1312 = vector.broadcast %add3A_1311 : f32 to vector<16xf32>
      %add3A_1313 = arith.addf %add3A_1310, %add3A_1312 : vector<16xf32>
      %mul3A_1314 = arith.constant 16 : i32
      %mul3A_1315 = arith.muli %scan3A_1290, %mul3A_1314 : i32
      %swap3A_1316 = arith.index_cast %mul3A_1315 : i32 to index
      %swap3A_1317 = tpu.vector_load %arg5[%swap3A_1316] {strides = array<i32>} : memref<65536xf32, #tpu.memory_space<vmem>>, vector<16xf32>,
      %swap3A_1318 = vector.shape_cast %swap3A_1317 : vector<16xf32> to vector<16xf32>
      %swap3A_1319 = vector.shape_cast %add3A_1313 : vector<16xf32> to vector<16xf32>
      tpu.vector_store %arg5[%swap3A_1316], %swap3A_1319 {strides = array<i32>} : memref<65536xf32, #tpu.memory_space<vmem>>, vector<16xf32>,
      %scan3A_1320 = arith.constant 0 : i32
      %scan3A_1321 = arith.constant 13 : i32
      %scan3A_1322 = arith.addi %scan3A_908, %scan3A_1321 : i32
      %mul3A_1323 = arith.constant 16 : i32
      %mul3A_1324 = arith.muli %scan3A_1322, %mul3A_1323 : i32
      %get3A_1325 = arith.index_cast %mul3A_1324 : i32 to index
      %get3A_1326 = tpu.vector_load %arg5[%get3A_1325] {strides = array<i32>} : memref<65536xf32, #tpu.memory_space<vmem>>, vector<16xf32>,
      %get3A_1327 = vector.shape_cast %get3A_1326 : vector<16xf32> to vector<16xf32>
      %abs3A_1328 = math.absf %get3A_1327 : vector<16xf32>
      %mul3A_1329 = arith.mulf %abs3A_1328, %div3A_892 : vector<16xf32>
      %sub3A_1330 = arith.constant 2.000000e+00 : f32
      %sub3A_1331 = vector.broadcast %sub3A_1330 : f32 to vector<16xf32>
      %sub3A_1332 = arith.subf %sub3A_1331, %mul3A_1329 : vector<16xf32>
      %exp3A_1333 = math.exp %sub3A_1332 : vector<16xf32>
      %add3A_1334 = arith.constant 1.000000e+00 : f32
      %add3A_1335 = vector.broadcast %add3A_1334 : f32 to vector<16xf32>
      %add3A_1336 = arith.addf %add3A_1335, %exp3A_1333 : vector<16xf32>
      %div3A_1337 = arith.constant 5.000000e-01 : f32
      %div3A_1338 = vector.broadcast %div3A_1337 : f32 to vector<16xf32>
      %div3A_1339 = arith.divf %div3A_1338, %add3A_1336 : vector<16xf32>
      %mul3A_1340 = arith.mulf %get3A_1327, %get3A_1327 : vector<16xf32>
      %mul3A_1341 = arith.mulf %div3A_899, %mul3A_1340 : vector<16xf32>
      %add3A_1342 = arith.addf %div3A_1339, %mul3A_1341 : vector<16xf32>
      %add3A_1343 = arith.constant 0.18096748 : f32
      %add3A_1344 = vector.broadcast %add3A_1343 : f32 to vector<16xf32>
      %add3A_1345 = arith.addf %add3A_1342, %add3A_1344 : vector<16xf32>
      %mul3A_1346 = arith.constant 16 : i32
      %mul3A_1347 = arith.muli %scan3A_1322, %mul3A_1346 : i32
      %swap3A_1348 = arith.index_cast %mul3A_1347 : i32 to index
      %swap3A_1349 = tpu.vector_load %arg5[%swap3A_1348] {strides = array<i32>} : memref<65536xf32, #tpu.memory_space<vmem>>, vector<16xf32>,
      %swap3A_1350 = vector.shape_cast %swap3A_1349 : vector<16xf32> to vector<16xf32>
      %swap3A_1351 = vector.shape_cast %add3A_1345 : vector<16xf32> to vector<16xf32>
      tpu.vector_store %arg5[%swap3A_1348], %swap3A_1351 {strides = array<i32>} : memref<65536xf32, #tpu.memory_space<vmem>>, vector<16xf32>,
      %scan3A_1352 = arith.constant 0 : i32
      %scan3A_1353 = arith.constant 14 : i32
      %scan3A_1354 = arith.addi %scan3A_908, %scan3A_1353 : i32
      %mul3A_1355 = arith.constant 16 : i32
      %mul3A_1356 = arith.muli %scan3A_1354, %mul3A_1355 : i32
      %get3A_1357 = arith.index_cast %mul3A_1356 : i32 to index
      %get3A_1358 = tpu.vector_load %arg5[%get3A_1357] {strides = array<i32>} : memref<65536xf32, #tpu.memory_space<vmem>>, vector<16xf32>,
      %get3A_1359 = vector.shape_cast %get3A_1358 : vector<16xf32> to vector<16xf32>
      %abs3A_1360 = math.absf %get3A_1359 : vector<16xf32>
      %mul3A_1361 = arith.mulf %abs3A_1360, %div3A_892 : vector<16xf32>
      %sub3A_1362 = arith.constant 2.000000e+00 : f32
      %sub3A_1363 = vector.broadcast %sub3A_1362 : f32 to vector<16xf32>
      %sub3A_1364 = arith.subf %sub3A_1363, %mul3A_1361 : vector<16xf32>
      %exp3A_1365 = math.exp %sub3A_1364 : vector<16xf32>
      %add3A_1366 = arith.constant 1.000000e+00 : f32
      %add3A_1367 = vector.broadcast %add3A_1366 : f32 to vector<16xf32>
      %add3A_1368 = arith.addf %add3A_1367, %exp3A_1365 : vector<16xf32>
      %div3A_1369 = arith.constant 5.000000e-01 : f32
      %div3A_1370 = vector.broadcast %div3A_1369 : f32 to vector<16xf32>
      %div3A_1371 = arith.divf %div3A_1370, %add3A_1368 : vector<16xf32>
      %mul3A_1372 = arith.mulf %get3A_1359, %get3A_1359 : vector<16xf32>
      %mul3A_1373 = arith.mulf %div3A_899, %mul3A_1372 : vector<16xf32>
      %add3A_1374 = arith.addf %div3A_1371, %mul3A_1373 : vector<16xf32>
      %add3A_1375 = arith.constant 0.18096748 : f32
      %add3A_1376 = vector.broadcast %add3A_1375 : f32 to vector<16xf32>
      %add3A_1377 = arith.addf %add3A_1374, %add3A_1376 : vector<16xf32>
      %mul3A_1378 = arith.constant 16 : i32
      %mul3A_1379 = arith.muli %scan3A_1354, %mul3A_1378 : i32
      %swap3A_1380 = arith.index_cast %mul3A_1379 : i32 to index
      %swap3A_1381 = tpu.vector_load %arg5[%swap3A_1380] {strides = array<i32>} : memref<65536xf32, #tpu.memory_space<vmem>>, vector<16xf32>,
      %swap3A_1382 = vector.shape_cast %swap3A_1381 : vector<16xf32> to vector<16xf32>
      %swap3A_1383 = vector.shape_cast %add3A_1377 : vector<16xf32> to vector<16xf32>
      tpu.vector_store %arg5[%swap3A_1380], %swap3A_1383 {strides = array<i32>} : memref<65536xf32, #tpu.memory_space<vmem>>, vector<16xf32>,
      %scan3A_1384 = arith.constant 0 : i32
      %scan3A_1385 = arith.constant 15 : i32
      %scan3A_1386 = arith.addi %scan3A_908, %scan3A_1385 : i32
      %mul3A_1387 = arith.constant 16 : i32
      %mul3A_1388 = arith.muli %scan3A_1386, %mul3A_1387 : i32
      %get3A_1389 = arith.index_cast %mul3A_1388 : i32 to index
      %get3A_1390 = tpu.vector_load %arg5[%get3A_1389] {strides = array<i32>} : memref<65536xf32, #tpu.memory_space<vmem>>, vector<16xf32>,
      %get3A_1391 = vector.shape_cast %get3A_1390 : vector<16xf32> to vector<16xf32>
      %abs3A_1392 = math.absf %get3A_1391 : vector<16xf32>
      %mul3A_1393 = arith.mulf %abs3A_1392, %div3A_892 : vector<16xf32>
      %sub3A_1394 = arith.constant 2.000000e+00 : f32
      %sub3A_1395 = vector.broadcast %sub3A_1394 : f32 to vector<16xf32>
      %sub3A_1396 = arith.subf %sub3A_1395, %mul3A_1393 : vector<16xf32>
      %exp3A_1397 = math.exp %sub3A_1396 : vector<16xf32>
      %add3A_1398 = arith.constant 1.000000e+00 : f32
      %add3A_1399 = vector.broadcast %add3A_1398 : f32 to vector<16xf32>
      %add3A_1400 = arith.addf %add3A_1399, %exp3A_1397 : vector<16xf32>
      %div3A_1401 = arith.constant 5.000000e-01 : f32
      %div3A_1402 = vector.broadcast %div3A_1401 : f32 to vector<16xf32>
      %div3A_1403 = arith.divf %div3A_1402, %add3A_1400 : vector<16xf32>
      %mul3A_1404 = arith.mulf %get3A_1391, %get3A_1391 : vector<16xf32>
      %mul3A_1405 = arith.mulf %div3A_899, %mul3A_1404 : vector<16xf32>
      %add3A_1406 = arith.addf %div3A_1403, %mul3A_1405 : vector<16xf32>
      %add3A_1407 = arith.constant 0.18096748 : f32
      %add3A_1408 = vector.broadcast %add3A_1407 : f32 to vector<16xf32>
      %add3A_1409 = arith.addf %add3A_1406, %add3A_1408 : vector<16xf32>
      %mul3A_1410 = arith.constant 16 : i32
      %mul3A_1411 = arith.muli %scan3A_1386, %mul3A_1410 : i32
      %swap3A_1412 = arith.index_cast %mul3A_1411 : i32 to index
      %swap3A_1413 = tpu.vector_load %arg5[%swap3A_1412] {strides = array<i32>} : memref<65536xf32, #tpu.memory_space<vmem>>, vector<16xf32>,
      %swap3A_1414 = vector.shape_cast %swap3A_1413 : vector<16xf32> to vector<16xf32>
      %swap3A_1415 = vector.shape_cast %add3A_1409 : vector<16xf32> to vector<16xf32>
      tpu.vector_store %arg5[%swap3A_1412], %swap3A_1415 {strides = array<i32>} : memref<65536xf32, #tpu.memory_space<vmem>>, vector<16xf32>,
      %scan3A_1416 = arith.constant 0 : i32
      scf.yield %scan3A_1416 : i32
    }
    %scan3A_905 = arith.constant 4096 : i32
    %mul3A_906 = arith.constant 65536 : i32
    %mul3A_907 = arith.muli %add3A, %mul3A_906 : i32
    "tpu.region"() ({
      %run_scoped3A = tpu.sem_alloc : memref<!tpu.dma_semaphore, #tpu.memory_space<semaphore_mem>>
      %dma_start3A = tpu.memref_slice %arg4[%mul3A_907] : memref<2097152xf32, #tpu.memory_space<hbm>> -> memref<65536xf32, #tpu.memory_space<hbm>>
      %dma_start3A_908 = tpu.memref_slice %arg4[%mul3A_907] : memref<2097152xf32, #tpu.memory_space<hbm>> -> memref<65536xf32, #tpu.memory_space<hbm>>
      tpu.enqueue_dma source(%arg5 : memref<65536xf32, #tpu.memory_space<vmem>>) target(%dma_start3A_908 : memref<65536xf32, #tpu.memory_space<hbm>>) target_semaphore(%run_scoped3A : memref<!tpu.dma_semaphore, #tpu.memory_space<semaphore_mem>>)
      %dma_wait3A = tpu.memref_slice %arg4[%mul3A_907] : memref<2097152xf32, #tpu.memory_space<hbm>> -> memref<65536xf32, #tpu.memory_space<hbm>>
      %dma_wait3A_909 = tpu.memref_slice %arg4[%mul3A_907] : memref<2097152xf32, #tpu.memory_space<hbm>> -> memref<65536xf32, #tpu.memory_space<hbm>>
      tpu.wait_dma2 semaphore(%run_scoped3A : memref<!tpu.dma_semaphore, #tpu.memory_space<semaphore_mem>>) src(%arg5 : memref<65536xf32, #tpu.memory_space<vmem>>) dst(%dma_wait3A_909 : memref<65536xf32, #tpu.memory_space<hbm>>)
      tpu.yield
    }) : () -> ()
    return
  }
}

</mosaic_0001>

<sc_bundles>
// kernel: kernel.4.cloned.1.call-start
scs
__scs_entry_jumppad:
0x0: {  	(pc) =	sbr.rel $0x88, $3  }
0x1: {  	(tag) =	ssettag $0x0;
	lr =	simm.s32 $0x1  }
0x2: {  	[smem:$0x3FA0] =	sst lr;
	_ =	strace $0xD0000000  }
0x3: {  	_ = 	snop  }
0x4: {  	_ = 	snop  }
0x5: {  	_ = 	snop  }
0x6: {  	_ = 	snop  }
0x7: {  	_ = 	snop  }
__scs_overlays_trampoline_lowered:
0x8: {  	[smem:$0x3FAF] =	sst s0  }
0x9: {  	[smem:$0x3FB0] =	sst s1  }
0xa: {  	[smem:$0x3FB1] =	sst s2  }
0xb: {  	[smem:$0x3FB2] =	sst s3  }
0xc: {  	[smem:$0x3FB3] =	sst s4  }
0xd: {  	[smem:$0x3FB4] =	sst s5  }
0xe: {  	[smem:$0x3FB5] =	sst s6  }
0xf: {  	[smem:$0x3FB6] =	sst s7  }
0x10: {  	[smem:$0x3FB7] =	sst s8  }
0x11: {  	[smem:$0x3FB8] =	sst s9;
	s0 =	simm.s32 @!p0 $0x0  }
0x12: {  	s1 =	sld [smem:$0x3F9E];
	s0 =	simm.s32 @p0 $0x1  }
0x13: {  	[smem:$0x3FB9] =	sst s0;
	s0 =	simm.s32 @!p1 $0x0  }
0x14: {  	s2 =	sld [smem:$0x3F9D];
	s0 =	simm.s32 @p1 $0x1  }
0x15: {  	[smem:$0x3FBA] =	sst s0;
	s0 =	simm.s32 @!p2 $0x0  }
0x16: {  	s3 =	sld [smem:$0x3FDB];
	s0 =	simm.s32 @p2 $0x1  }
0x17: {  	s4 =	simm.s32 $0x1BF5;
	[smem:$0x3FBC] =	sst s0  }
0x18: {  	s0 =	sld [smem:$0x3F9F];
	_ =	swait.ge [sflag:s4], $0x0  }
0x19: {  	s7 =	sld [smem:$0x3FA0]  }
0x1a: {  	s8 =	sadd.s32 $0xFFFFE003, lr  }
0x1b: {  	s9 =	sadd.s32 $0xFFFFFEF7, lr;
	s5 =	simm.s32 $0xFFFFFFFF;
	p2 =	slt.u32 s8, $0xFFFFF086  }
0x1c: {  	p1 =	slt.u32 s9, $0xF7A;
	s5 =	simm.s32 @!p2 $0x0  }
0x1d: {  	s5 =	simm.s32 @p1 $0x1;
	p0 =	seq.s32 s7, s2  }
0x1e: {  	s7 =	smul.u32 @!p0 $0xF7A, s2;
	p2 =	seq.s32 @!p0 s5, $0x0  }
0x1f: {  	s9 =	smul.u32 $0xF7A, s1;
	s8 =	simm.s32 @!p0 $0x1BF5;
	p2 =	por !p2, p0  }
0x20: {  	[sflag:s8] =	ssyncset.s32 @!p0 $0xFFFFF086;
	s6 =	sadd.s32 @!p0 s3, s7;
	s7 =	simm.s32 @!p0 $0x108  }
0x21: {  	s3 =	sadd.s32 s3, s9;
	s6 =	sadd.s32 @!p0 $0x88, s6;
	s7 =	simm.s32 @p2 $0x1082  }
0x22: {  	[simem:s7], [sflag:s8] =	dma.local @!p0 [hbm:s6], $0xF7A  }
0x23: {  	s9 =	sor.u32 $0xD0000000, s2;
	s6 =	simm.s32 $0x108;
	_ =	swait.ge @!p0 [sflag:s8], $0x0  }
0x24: {  	s3 =	sadd.s32 $0x88, s3;
	s6 =	simm.s32 @!p1 $0x1082;
	[sflag:s4] =	ssyncset.s32 $0xFFFFF086  }
0x25: {  	[simem:s6], [sflag:s4] =	dma.local [hbm:s3], $0xF7A  }
0x26: {  	[smem:$0x3FA0] =	sst s1;
	(tag) =	ssettag s2;
	_ =	strace s9  }
0x27: {  	s1 =	sld [smem:$0x3FB0]  }
0x28: {  	s2 =	sld [smem:$0x3FB1]  }
0x29: {  	s4 =	sld [smem:$0x3FB3]  }
0x2a: {  	p0 =	seq.s32 s5, $0x0;
	s5 =	sld [smem:$0x3FB4]  }
0x2b: {  	s6 =	sld [smem:$0x3FB5]  }
0x2c: {  	s7 =	sld [smem:$0x3FB6]  }
0x2d: {  	s3 =	simm.s32 $0x108;
	s8 =	sld [smem:$0x3FB7]  }
0x2e: {  	s3 =	simm.s32 @!p0 $0x1082;
	s9 =	sld [smem:$0x3FB8]  }
0x2f: {  	lr =	sadd.s32 s0, s3;
	s0 =	sld [smem:$0x3FAF]  }
0x30: {  	s3 =	sld [smem:$0x3FB2]  }
0x31: {  	[smem:$0x3FBB] =	sst s10  }
0x32: {  	s10 =	sld [smem:$0x3FB9];
	_ =	sdelay $0x3  }
0x33: {  	p0 =	seq.s32 s10, $0x1;
	s10 =	sld [smem:$0x3FBB];
	_ =	sdelay $0x3  }
0x34: {  	[smem:$0x3FBB] =	sst s10  }
0x35: {  	s10 =	sld [smem:$0x3FBA];
	_ =	sdelay $0x3  }
0x36: {  	p1 =	seq.s32 s10, $0x1;
	s10 =	sld [smem:$0x3FBB];
	_ =	sdelay $0x3  }
0x37: {  	[smem:$0x3FBB] =	sst s10  }
0x38: {  	s10 =	sld [smem:$0x3FBC]  }
0x39: {  	_ = 	snop;
	(pc) =	sbr.ind lr, $3  }
0x3a: {  	_ = 	snop  }
0x3b: {  	_ = 	snop  }
0x3c: {  	p2 =	seq.s32 s10, $0x1;
	s10 =	sld [smem:$0x3FBB]  }
0x3d: {  	_ =	shalt  }
0x3e: {  	_ =	shalt  }
0x3f: {  	_ =	shalt  }
0x40: {  	_ =	shalt  }
0x41: {  	_ =	shalt  }
0x42: {  	_ =	shalt  }
0x43: {  	_ =	shalt  }
0x44: {  	_ =	shalt  }
0x45: {  	_ =	shalt  }
0x46: {  	_ =	shalt  }
0x47: {  	_ =	shalt  }
0x48: {  	_ =	shalt  }
0x49: {  	_ =	shalt  }
0x4a: {  	_ =	shalt  }
0x4b: {  	_ =	shalt  }
0x4c: {  	_ =	shalt  }
0x4d: {  	_ =	shalt  }
0x4e: {  	_ =	shalt  }
0x4f: {  	_ =	shalt  }
0x50: {  	_ =	shalt  }
0x51: {  	_ =	shalt  }
0x52: {  	_ =	shalt  }
0x53: {  	_ =	shalt  }
0x54: {  	_ =	shalt  }
0x55: {  	_ =	shalt  }
0x56: {  	_ =	shalt  }
0x57: {  	_ =	shalt  }
0x58: {  	_ =	shalt  }
0x59: {  	_ =	shalt  }
0x5a: {  	_ =	shalt  }
0x5b: {  	_ =	shalt  }
0x5c: {  	_ =	shalt  }
0x5d: {  	_ =	shalt  }
0x5e: {  	_ =	shalt  }
0x5f: {  	_ =	shalt  }
0x60: {  	_ =	shalt  }
0x61: {  	_ =	shalt  }
0x62: {  	_ =	shalt  }
0x63: {  	_ =	shalt  }
0x64: {  	_ =	shalt  }
0x65: {  	_ =	shalt  }
0x66: {  	_ =	shalt  }
0x67: {  	_ =	shalt  }
0x68: {  	_ =	shalt  }
0x69: {  	_ =	shalt  }
0x6a: {  	_ =	shalt  }
0x6b: {  	_ =	shalt  }
0x6c: {  	_ =	shalt  }
0x6d: {  	_ =	shalt  }
0x6e: {  	_ =	shalt  }
0x6f: {  	_ =	shalt  }
0x70: {  	_ =	shalt  }
0x71: {  	_ =	shalt  }
0x72: {  	_ =	shalt  }
0x73: {  	_ =	shalt  }
0x74: {  	_ =	shalt  }
0x75: {  	_ =	shalt  }
0x76: {  	_ =	shalt  }
0x77: {  	_ =	shalt  }
0x78: {  	_ =	shalt  }
0x79: {  	_ =	shalt  }
0x7a: {  	_ =	shalt  }
0x7b: {  	_ =	shalt  }
0x7c: {  	_ =	shalt  }
0x7d: {  	_ =	shalt  }
0x7e: {  	_ =	shalt  }
0x7f: {  	_ =	shalt  }
0x80: {  	_ =	shalt  }
0x81: {  	_ =	shalt  }
0x82: {  	_ =	shalt  }
0x83: {  	_ =	shalt  }
0x84: {  	_ =	shalt  }
0x85: {  	_ =	shalt  }
0x86: {  	_ =	shalt  }
0x87: {  	_ =	shalt  }
.Lfunc_end0:
.L_simem_size_0:
called_computation_lowered:
.L_overlay_start_0:
0x88: {  	s2 =	sld [smem:$0x3FD9]  }
0x89: {  	s3 =	sld [smem:$0x3FFE];
	_ =	sdelay $0x1  }
0x8a: {  	s1 =	srdreg.scid  }
0x8b: {  	s0 =	sand.u32 $0x1, s1  }
0x8c: {  	s17 =	sshll.u32 s0, $0xA;
	s2 =	sadd.s32 s3, s2  }
0x8d: {  	s2 =	sadd.s32 s2, s17  }
0x8e: {  	[smem:$0x3FC7] =	sst s2  }
0x8f: {  	_ = 	snop  }
0x90: {  	s2 =	sld [smem:$0x3FC9];
	(tm) =	ssettm $0x1  }
0x91: {  	s18 =	sld [smem:$0x3FFB];
	_ =	sdelay $0x3  }
0x92: {  	_ =	strace s18  }
0x93: {  	s3 =	sld [smem:$0x3FFC];
	_ =	sdelay $0x3  }
0x94: {  	_ =	strace s3  }
0x95: {  	s3 =	sld [smem:$0x3FFD];
	_ =	sdelay $0x3  }
0x96: {  	_ =	strace s3  }
0x97: {  	_ =	strace $0x8FFFFFFF  }
0x98: {  	s19 =	sld [smem:$0x3FDB];
	_ =	sdelay $0x1  }
0x99: {  	s4 =	simm.s32 $_scs_section_size  }
0x9a: {  	s5 =	simm.s32 $_size__tile_overlayer_lowered;
	s6 =	simm.s32 $_tile_overlayer_lowered  }
0x9b: {  	s22 =	simm.s32 $0x1BFF;
	s21 =	sshll.u32 s6, $0x1;
	s3 =	sadd.s32 s4, s19  }
0x9c: {  	s7 =	simm.s32 $0x0;
	s20 =	sshll.u32 s5, $0x1;
	s5 =	sadd.s32 s21, s3  }
0x9d: {  	[timem:s7], [sflag:s22] =	dma.local [hbm:s5], s20  }
0x9e: {  	_ =	swait.ge [sflag:s22], s20  }
0x9f: {  	s4 =	ssub.s32 $0x0, s20;
	[sflag:s22] =	ssyncset.done $0x0  }
0xa0: {  	[sflag:s22] =	ssyncadd.s32 s4;
	_ =	sdelay $0x1  }
0xa1: {  	s23 =	simm.s32 $0x1B8B  }
0xa2: {  	_ =	swait.ge [sflag:s23], $0x1  }
0xa3: {  	[sflag:s23] =	ssyncset.done $0x0  }
0xa4: {  	s25 =	simm.s32 $0x1B8E;
	s24 =	sld [smem:$0x3FFE];
	[sflag:s23] =	ssyncadd.s32 $0xFFFFFFFF  }
0xa5: {  	s26 =	simm.s32 $execute0_lowered;
	[smem:$0x3FD2] =	sst s25  }
0xa6: {  	s5 =	sshll.u32 s26, $0x1;
	_ =	strace $0x80000046;
	[dreg:$0x1] =	wrdreg $0xFFFFFFFF  }
0xa7: {  	s28 =	simm.s32 $_size_execute0_lowered;
	s3 =	sadd.s32 s3, s5;
	[dreg:$0x0] =	wrdreg $0x0  }
0xa8: {  	s5 =	sshll.u32 s28, $0x1;
	[dreg:$0x2] =	wrdreg s3  }
0xa9: {  	[dreg:$0x3] =	wrdreg s5  }
0xaa: {  	[dreg:$0x4] =	wrdreg $0xC0  }
0xab: {  	_ =	task [dreg:s7], $0x5FFFF  }
0xac: {  	[dreg:$0x1] =	wrdreg $0xFFFFFFFF  }
0xad: {  	[dreg:$0x0] =	wrdreg $0x60  }
0xae: {  	[dreg:$0x2] =	wrdreg s2  }
0xaf: {  	[dreg:$0x3] =	wrdreg s24  }
0xb0: {  	[dreg:$0x4] =	wrdreg $0x9  }
0xb1: {  	_ =	task.clear_ibuf [dreg:s7], $0x5FFFF;
	_ =	strace $0x90000046  }
0xb2: {  	s29 =	simm.s32 $0x9;
	_ =	strace $0x80000048  }
0xb3: {  	_ =	swait.ge [sflag:s29], $0x1  }
0xb4: {  	[sflag:s29] =	ssyncadd.s32 $0xFFFFFFFF  }
0xb5: {  	_ =	strace $0x90000048  }
0xb6: {  	_ =	sfence  }
0xb7: {  	s30 =	sld [smem:$0x0];
	_ =	sdelay $0x2  }
0xb8: {  	s31 =	sshll.u32 s1, $0xD;
	s1 =	sshrl.u32 s1, $0x2  }
0xb9: {  	s3 =	sand.u32 $0x4000, s31;
	s1 =	sadd.s32 s1, s30  }
0xba: {  	s0 =	sor.u32 s3, s0;
	s1 =	sshll.u32 s1, $0x11  }
0xbb: {  	s0 =	sor.u32 s1, s0  }
0xbc: {  	s0 =	sadd.s32 $0x8F2B, s0  }
0xbd: {  	[sflag:s0] =	ssyncadd.remote.s32 $0x1  }
0xbe: {  	_ =	sfence.sel $0xFFFF  }
0xbf: {  	[dreg:$0x0] =	wrdreg $0xFFFFFFFF;
	(pc) =	sbr.abs _section_cstart, $3  }
0xc0: {  	[dreg:$0x1] =	wrdreg $0xFFFFFFFF  }
0xc1: {  	_ =	task.clear_ibuf [dreg:s7], $0x2FFFF;
	_ =	strace $0x9FFFFFFF  }
0xc2: {  	(tm) =	ssettm $0x7FFFFFFF  }
0xc3: {  	_ =	shalt  }
tec
execute0_lowered:
.L_overlay_start_1:
0x0: {  	(tag) =	ssettag $0x1  }
0x1: {  	s3 =	rddreg [dreg:$0x0]  }
0x2: {  	s4 =	rddreg [dreg:$0x1]  }
0x3: {  	s0 =	rddreg [dreg:$0x2]  }
0x4: {  	s5 =	srdreg.scid;
	s1 =	stileid.u32  }
0x5: {  	s2 =	simm.s32 $0x0;
	s5 =	sand.u32 $0x1, s5;
	s6 =	sshll.u32 s1, $0x1  }
0x6: {  	[smem:$0x7FF] =	sst s2;
	s6 =	sor.u32 s5, s6;
	s5 =	ssub.s32 $0x2, s5  }
0x7: {  	_ =	strace $0x80000047;
	s7 =	sshll.u32 s6, $0x6;
	s8 =	sshrl.u32 s5, $0x1  }
0x8: {  	s6 =	sshll.u32 s6, $0xD;
	s4 =	sadd.s32 s7, s4;
	s5 =	ssub.s32 s5, s8  }
0x9: {  	s3 =	sadd.s32 s3, s6;
	s6 =	simm.s32 $0x1;
	s7 =	simm.s32 $0x10000  }
0xa: {  	s8 =	simm.s32 $0x0;
	s4 =	sadd.s32 $0x800, s4;
	s5 =	smax.u32 s5, $0x1  }
.LBB2_1:
0xb: {  	[tilespmem:s2], [sflag:$0x1] =	stream.linear.gather [hbm4b:s3+s2], $0x10000, $0x38;
	[tilespmem:$0x10200] =	vst v63  }
0xc: {  	_ =	swait.ge [sflag:s6], $0x10000  }
0xd: {  	[sflag:s6] =	ssyncset.done $0x0  }
0xe: {  	s10 =	simm.s32 $0x80;
	[sflag:s6] =	ssyncadd.s32 $0xFFFF0000  }
0xf: {  	v5 =	vld [tilespmem:s10+$0xFFFFFF80];
	_ =	sdelay $0x1  }
0x10: {  	v6 =	vld [tilespmem:s10+$0xFFFFFF90];
	_ =	sdelay $0x1  }
0x11: {  	v7 =	vld [tilespmem:s10+$0xFFFFFFA0]  }
0x12: {  	v0 =	vmul.f32 v5, v5  }
0x13: {  	v8 =	vimm.f32 $0.0e+00;
	v9 =	vld [tilespmem:s10+$0xFFFFFFB0]  }
0x14: {  	v1 =	vadd.f32 v5, v8;
	v3 =	vmul.f32 v6, v6;
	v2 =	vadd.f32 v0, v8  }
0x15: {  	v10 =	vld [tilespmem:s10+$0xFFFFFFC0]  }
0x16: {  	v11 =	vld [tilespmem:s10+$0xFFFFFFD0];
	v4 =	vmul.f32 v7, v7;
	v1 =	vadd.f32 v6, v1;
	v3 =	vadd.f32 v3, v2;
	_ =	sdelay $0x1  }
0x17: {  	v13 =	vld [tilespmem:s10+$0xFFFFFFE0];
	v1 =	vadd.f32 v7, v1;
	v3 =	vadd.f32 v4, v3;
	v4 =	vmul.f32 v9, v9;
	_ =	sdelay $0x1  }
0x18: {  	v15 =	vld [tilespmem:s10+$0xFFFFFFF0];
	v1 =	vadd.f32 v9, v1;
	v3 =	vadd.f32 v4, v3;
	v4 =	vmul.f32 v10, v10  }
0x19: {  	v17 =	vmul.f32 v11, v11  }
0x1a: {  	v14 =	vld [tilespmem:s10+$0x0];
	v61 =	vand.u32 $0x7FFFFFFF, v5;
	v16 =	vadd.f32 v10, v1;
	v4 =	vadd.f32 v4, v3  }
0x1b: {  	v18 =	vmul.f32 v13, v13;
	v8 =	vmax.f32 v8, v61  }
0x1c: {  	v19 =	vld [tilespmem:s10+$0x10];
	v6 =	vand.u32 $0x7FFFFFFF, v6;
	v16 =	vadd.f32 v11, v16;
	v17 =	vadd.f32 v17, v4  }
0x1d: {  	v12 =	vld [tilespmem:s10+$0x20];
	v20 =	vand.u32 $0x7FFFFFFF, v13;
	v60 =	vmul.f32 v15, v15;
	v6 =	vmax.f32 v8, v6  }
0x1e: {  	v0 =	vld [tilespmem:s10+$0x60];
	v7 =	vand.u32 $0x7FFFFFFF, v7;
	v13 =	vadd.f32 v13, v16;
	v59 =	vadd.f32 v18, v17  }
0x1f: {  	v62 =	vmul.f32 v14, v14;
	v5 =	vld [tilespmem:s10+$0x30];
	v6 =	vmax.f32 v6, v7  }
0x20: {  	v2 =	vld [tilespmem:s10+$0x40];
	v7 =	vand.u32 $0x7FFFFFFF, v9;
	v13 =	vadd.f32 v15, v13;
	v16 =	vadd.f32 v60, v59  }
0x21: {  	v21 =	vand.u32 $0x7FFFFFFF, v14;
	v63 =	vmul.f32 v19, v19;
	v7 =	vmax.f32 v6, v7  }
0x22: {  	v10 =	vand.u32 $0x7FFFFFFF, v10;
	v8 =	vadd.f32 v14, v13;
	v13 =	vadd.f32 v62, v16  }
0x23: {  	v9 =	vmul.f32 v12, v12;
	v1 =	vand.u32 $0x7FFFFFFF, v0;
	v7 =	vmax.f32 v7, v10  }
0x24: {  	v6 =	vld [tilespmem:s10+$0x50];
	v10 =	vand.u32 $0x7FFFFFFF, v11;
	v8 =	vadd.f32 v19, v8;
	v13 =	vadd.f32 v63, v13  }
0x25: {  	v3 =	vand.u32 $0x7FFFFFFF, v2;
	v11 =	vmul.f32 v5, v5;
	v7 =	vmax.f32 v7, v10  }
0x26: {  	v7 =	vmax.f32 v7, v20;
	v10 =	vadd.f32 v12, v8;
	v9 =	vadd.f32 v9, v13  }
0x27: {  	v4 =	vand.u32 $0x7FFFFFFF, v12;
	v12 =	vand.u32 $0x7FFFFFFF, v15;
	v8 =	vmul.f32 v2, v2  }
0x28: {  	v12 =	vmax.f32 v7, v12;
	v7 =	vld [tilespmem:s10+$0x70];
	v10 =	vadd.f32 v5, v10;
	v11 =	vadd.f32 v11, v9  }
0x29: {  	s9 =	simm.s32 $0x0;
	s10 =	simm.s32 $0x180;
	v12 =	vmax.f32 v12, v21;
	v13 =	vand.u32 $0x7FFFFFFF, v19;
	v9 =	vmul.f32 v6, v6  }
.LBB2_2:
0x2a: {  	v14 =	vld [tilespmem:s10+$0xFFFFFF80];
	v12 =	vmax.f32 v12, v13;
	v2 =	vadd.f32 v2, v10;
	v8 =	vadd.f32 v8, v11  }
0x2b: {  	s9 =	sadd.s32 $0x10, s9;
	v5 =	vand.u32 $0x7FFFFFFF, v5;
	v10 =	vmul.f32 v0, v0;
	v4 =	vmax.f32 v12, v4  }
0x2c: {  	p0 =	slt.u32 s9, $0xFF0;
	v4 =	vmax.f32 v4, v5;
	v2 =	vadd.f32 v6, v2;
	v5 =	vadd.f32 v9, v8  }
0x2d: {  	v8 =	vld [tilespmem:s10+$0xFFFFFF90];
	v3 =	vmax.f32 v4, v3;
	v4 =	vand.u32 $0x7FFFFFFF, v6;
	v6 =	vmul.f32 v7, v7  }
0x2e: {  	v3 =	vmax.f32 v3, v4;
	v0 =	vadd.f32 v0, v2;
	v2 =	vadd.f32 v10, v5  }
0x2f: {  	v4 =	vmul.f32 v14, v14;
	v5 =	vld [tilespmem:s10+$0xFFFFFFA0];
	v1 =	vmax.f32 v3, v1;
	v3 =	vand.u32 $0x7FFFFFFF, v7  }
0x30: {  	v0 =	vadd.f32 v7, v0;
	v2 =	vadd.f32 v6, v2;
	v6 =	vmax.f32 v1, v3  }
0x31: {  	v7 =	vld [tilespmem:s10+$0xFFFFFFB0]  }
0x32: {  	v1 =	vadd.f32 v14, v0;
	v2 =	vadd.f32 v4, v2;
	v3 =	vmul.f32 v8, v8;
	v0 =	vld [tilespmem:s10+$0x60]  }
0x33: {  	v9 =	vld [tilespmem:s10+$0xFFFFFFC0]  }
0x34: {  	v1 =	vadd.f32 v8, v1;
	v3 =	vadd.f32 v3, v2;
	v4 =	vmul.f32 v5, v5;
	v2 =	vld [tilespmem:s10+$0x40]  }
0x35: {  	v10 =	vld [tilespmem:s10+$0xFFFFFFD0]  }
0x36: {  	v1 =	vadd.f32 v5, v1;
	v3 =	vadd.f32 v4, v3;
	v4 =	vmul.f32 v7, v7;
	v11 =	vld [tilespmem:s10+$0x20]  }
0x37: {  	v12 =	vld [tilespmem:s10+$0xFFFFFFE0]  }
0x38: {  	v1 =	vadd.f32 v7, v1;
	v3 =	vadd.f32 v4, v3;
	v4 =	vmul.f32 v9, v9;
	v13 =	vld [tilespmem:s10+$0x0]  }
0x39: {  	v15 =	vld [tilespmem:s10+$0xFFFFFFF0]  }
0x3a: {  	v16 =	vadd.f32 v9, v1;
	v4 =	vadd.f32 v4, v3;
	v17 =	vmul.f32 v10, v10  }
0x3b: {  	v3 =	vand.u32 $0x7FFFFFFF, v2;
	v1 =	vand.u32 $0x7FFFFFFF, v0  }
0x3c: {  	v16 =	vadd.f32 v10, v16;
	v17 =	vadd.f32 v17, v4;
	v18 =	vmul.f32 v12, v12;
	v19 =	vld [tilespmem:s10+$0x10]  }
0x3d: {  	v20 =	vand.u32 $0x7FFFFFFF, v12;
	v4 =	vand.u32 $0x7FFFFFFF, v11;
	v21 =	vand.u32 $0x7FFFFFFF, v13  }
0x3e: {  	v12 =	vadd.f32 v12, v16;
	v16 =	vadd.f32 v18, v17;
	v17 =	vmul.f32 v15, v15  }
0x3f: {  	v14 =	vand.u32 $0x7FFFFFFF, v14;
	v9 =	vand.u32 $0x7FFFFFFF, v9;
	v18 =	vand.u32 $0x7FFFFFFF, v5  }
0x40: {  	v12 =	vadd.f32 v15, v12;
	v16 =	vadd.f32 v17, v16;
	v17 =	vmul.f32 v13, v13;
	v5 =	vld [tilespmem:s10+$0x30]  }
0x41: {  	v6 =	vmax.f32 v6, v14;
	v8 =	vand.u32 $0x7FFFFFFF, v8;
	v14 =	vmul.f32 v19, v19  }
0x42: {  	v6 =	vmax.f32 v6, v8;
	v8 =	vadd.f32 v13, v12;
	v12 =	vadd.f32 v17, v16  }
0x43: {  	v7 =	vand.u32 $0x7FFFFFFF, v7;
	v6 =	vmax.f32 v6, v18;
	v13 =	vmul.f32 v11, v11  }
0x44: {  	v7 =	vmax.f32 v6, v7;
	v8 =	vadd.f32 v19, v8;
	v12 =	vadd.f32 v14, v12;
	v6 =	vld [tilespmem:s10+$0x50]  }
.Ltmp0:
0x45: {  	v7 =	vmax.f32 v7, v9;
	v9 =	vand.u32 $0x7FFFFFFF, v10;
	v14 =	vmul.f32 v5, v5;
	(pc) =	sbr.rel @p0 .LBB2_2-.Ltmp0, $4  }
0x46: {  	v7 =	vmax.f32 v7, v9;
	v9 =	vadd.f32 v11, v8;
	v11 =	vadd.f32 v13, v12  }
0x47: {  	v10 =	vand.u32 $0x7FFFFFFF, v15;
	v7 =	vmax.f32 v7, v20;
	v8 =	vmul.f32 v2, v2  }
0x48: {  	v12 =	vmax.f32 v7, v10;
	v10 =	vadd.f32 v5, v9;
	v11 =	vadd.f32 v14, v11;
	v7 =	vld [tilespmem:s10+$0x70]  }
0x49: {  	v13 =	vand.u32 $0x7FFFFFFF, v19;
	v12 =	vmax.f32 v12, v21;
	s10 =	sadd.s32 $0x100, s10;
	v9 =	vmul.f32 v6, v6  }
0x4a: {  	v2 =	vadd.f32 v2, v10  }
0x4b: {  	v8 =	vadd.f32 v8, v11  }
0x4c: {  	v2 =	vadd.f32 v6, v2  }
0x4d: {  	v54 =	vmax.f32 v12, v13;
	v55 =	vmul.f32 v0, v0;
	v8 =	vadd.f32 v9, v8  }
0x4e: {  	v5 =	vand.u32 $0x7FFFFFFF, v5;
	v4 =	vmax.f32 v54, v4;
	v56 =	vadd.f32 v0, v2  }
0x4f: {  	v57 =	vmax.f32 v4, v5;
	v58 =	vmul.f32 v7, v7;
	v59 =	vadd.f32 v55, v8  }
0x50: {  	v60 =	vand.u32 $0x7FFFFFFF, v6;
	v2 =	vmax.f32 v57, v3;
	v0 =	vadd.f32 v7, v56  }
0x51: {  	v2 =	vmax.f32 v2, v60;
	v61 =	vadd.f32 v58, v59  }
0x52: {  	s8 =	sadd.s32 $0x1, s8;
	v62 =	vand.u32 $0x7FFFFFFF, v7;
	v1 =	vmax.f32 v2, v1;
	[tilespmem:$0x10000] =	vst v0  }
0x53: {  	p0 =	sne.s32 s8, s5;
	v63 =	vmax.f32 v1, v62;
	[tilespmem:$0x10080] =	vst v61  }
.Ltmp1:
0x54: {  	[tilespmem:$0x10100] =	vst v63;
	(pc) =	sbr.rel @p0 .LBB2_1-.Ltmp1, $4  }
0x55: {  	[hbm4b:s4+s2] =	stream.linear.scatter [tilespmem:s7], [sflag:$0x1], $0x180, $0x38;
	[tilespmem:$0x10200] =	vst v63  }
0x56: {  	_ =	swait.ge [sflag:s6], $0x180  }
0x57: {  	[sflag:s6] =	ssyncset.done $0x0  }
0x58: {  	[sflag:s6] =	ssyncadd.s32 $0xFFFFFE80  }
0x59: {  	_ =	sfence.sel $0x180000  }
0x5a: {  	[bflag:$0x0] =	sbarrier.arrive $0xFFFF  }
0x5b: {  	p0 =	sne.s32 s1, $0x0;
	_ =	strace $0x90000047  }
0x5c: {  	s0 =	sadd.s32 @!p0 $0x100000, s0;
	[bflag:$0x2] =	sbarrier.arrive $0xFFFF  }
0x5d: {  	[sflag:s0] =	ssyncadd.tile.s32 @!p0 $0x1;
	_ =	shalt  }
.Lfunc_end2:
_tile_overlayer_lowered:
.L_overlay_start_2:
0x5e: {  	(tag) =	ssettag $0x2  }
0x5f: {  	s0 =	rddreg [dreg:$0x0];
	s2 =	stileid.u32  }
0x60: {  	s1 =	rddreg [dreg:$0x1];
	p0 =	sne.s32 s2, $0x0  }
0x61: {  	s3 =	rddreg [dreg:$0x2];
	[bflag:$0x3] =	sbarrier.arrive $0xFFFF;
	s2 =	simm.s32 @!p0 $0x1C01  }
0x62: {  	[timem:s3], [sflag:s2] =	dma.local @!p0 [hbm:s0], s1  }
0x63: {  	s0 =	simm.s32 @!p0 $0x1  }
0x64: {  	_ =	swait.ge @!p0 [sflag:s0], s1  }
0x65: {  	s1 =	ssub.s32 @!p0 $0x0, s1;
	[sflag:s0] =	ssyncset.done @!p0 $0x0  }
0x66: {  	[sflag:s0] =	ssyncadd.s32 @!p0 s1  }
0x67: {  	[bflag:$0x3] =	sbarrier.arrive $0xFFFF  }
0x68: {  	_ =	shalt  }

// kernel: kernel.7.cloned.1.call-start
scs
__scs_entry_jumppad:
0x0: {  	(pc) =	sbr.rel $0x88, $3  }
0x1: {  	(tag) =	ssettag $0x0;
	lr =	simm.s32 $0x1  }
0x2: {  	[smem:$0x3FA0] =	sst lr;
	_ =	strace $0xD0000000  }
0x3: {  	_ = 	snop  }
0x4: {  	_ = 	snop  }
0x5: {  	_ = 	snop  }
0x6: {  	_ = 	snop  }
0x7: {  	_ = 	snop  }
__scs_overlays_trampoline_lowered:
0x8: {  	[smem:$0x3FAF] =	sst s0  }
0x9: {  	[smem:$0x3FB0] =	sst s1  }
0xa: {  	[smem:$0x3FB1] =	sst s2  }
0xb: {  	[smem:$0x3FB2] =	sst s3  }
0xc: {  	[smem:$0x3FB3] =	sst s4  }
0xd: {  	[smem:$0x3FB4] =	sst s5  }
0xe: {  	[smem:$0x3FB5] =	sst s6  }
0xf: {  	[smem:$0x3FB6] =	sst s7  }
0x10: {  	[smem:$0x3FB7] =	sst s8  }
0x11: {  	[smem:$0x3FB8] =	sst s9;
	s0 =	simm.s32 @!p0 $0x0  }
0x12: {  	s1 =	sld [smem:$0x3F9E];
	s0 =	simm.s32 @p0 $0x1  }
0x13: {  	[smem:$0x3FB9] =	sst s0;
	s0 =	simm.s32 @!p1 $0x0  }
0x14: {  	s2 =	sld [smem:$0x3F9D];
	s0 =	simm.s32 @p1 $0x1  }
0x15: {  	[smem:$0x3FBA] =	sst s0;
	s0 =	simm.s32 @!p2 $0x0  }
0x16: {  	s3 =	sld [smem:$0x3FDB];
	s0 =	simm.s32 @p2 $0x1  }
0x17: {  	s4 =	simm.s32 $0x1BF5;
	[smem:$0x3FBC] =	sst s0  }
0x18: {  	s0 =	sld [smem:$0x3F9F];
	_ =	swait.ge [sflag:s4], $0x0  }
0x19: {  	s7 =	sld [smem:$0x3FA0]  }
0x1a: {  	s8 =	sadd.s32 $0xFFFFE003, lr  }
0x1b: {  	s9 =	sadd.s32 $0xFFFFFEF7, lr;
	s5 =	simm.s32 $0xFFFFFFFF;
	p2 =	slt.u32 s8, $0xFFFFF086  }
0x1c: {  	p1 =	slt.u32 s9, $0xF7A;
	s5 =	simm.s32 @!p2 $0x0  }
0x1d: {  	s5 =	simm.s32 @p1 $0x1;
	p0 =	seq.s32 s7, s2  }
0x1e: {  	s7 =	smul.u32 @!p0 $0xF7A, s2;
	p2 =	seq.s32 @!p0 s5, $0x0  }
0x1f: {  	s9 =	smul.u32 $0xF7A, s1;
	s8 =	simm.s32 @!p0 $0x1BF5;
	p2 =	por !p2, p0  }
0x20: {  	[sflag:s8] =	ssyncset.s32 @!p0 $0xFFFFF086;
	s6 =	sadd.s32 @!p0 s3, s7;
	s7 =	simm.s32 @!p0 $0x108  }
0x21: {  	s3 =	sadd.s32 s3, s9;
	s6 =	sadd.s32 @!p0 $0x88, s6;
	s7 =	simm.s32 @p2 $0x1082  }
0x22: {  	[simem:s7], [sflag:s8] =	dma.local @!p0 [hbm:s6], $0xF7A  }
0x23: {  	s9 =	sor.u32 $0xD0000000, s2;
	s6 =	simm.s32 $0x108;
	_ =	swait.ge @!p0 [sflag:s8], $0x0  }
0x24: {  	s3 =	sadd.s32 $0x88, s3;
	s6 =	simm.s32 @!p1 $0x1082;
	[sflag:s4] =	ssyncset.s32 $0xFFFFF086  }
0x25: {  	[simem:s6], [sflag:s4] =	dma.local [hbm:s3], $0xF7A  }
0x26: {  	[smem:$0x3FA0] =	sst s1;
	(tag) =	ssettag s2;
	_ =	strace s9  }
0x27: {  	s1 =	sld [smem:$0x3FB0]  }
0x28: {  	s2 =	sld [smem:$0x3FB1]  }
0x29: {  	s4 =	sld [smem:$0x3FB3]  }
0x2a: {  	p0 =	seq.s32 s5, $0x0;
	s5 =	sld [smem:$0x3FB4]  }
0x2b: {  	s6 =	sld [smem:$0x3FB5]  }
0x2c: {  	s7 =	sld [smem:$0x3FB6]  }
0x2d: {  	s3 =	simm.s32 $0x108;
	s8 =	sld [smem:$0x3FB7]  }
0x2e: {  	s3 =	simm.s32 @!p0 $0x1082;
	s9 =	sld [smem:$0x3FB8]  }
0x2f: {  	lr =	sadd.s32 s0, s3;
	s0 =	sld [smem:$0x3FAF]  }
0x30: {  	s3 =	sld [smem:$0x3FB2]  }
0x31: {  	[smem:$0x3FBB] =	sst s10  }
0x32: {  	s10 =	sld [smem:$0x3FB9];
	_ =	sdelay $0x3  }
0x33: {  	p0 =	seq.s32 s10, $0x1;
	s10 =	sld [smem:$0x3FBB];
	_ =	sdelay $0x3  }
0x34: {  	[smem:$0x3FBB] =	sst s10  }
0x35: {  	s10 =	sld [smem:$0x3FBA];
	_ =	sdelay $0x3  }
0x36: {  	p1 =	seq.s32 s10, $0x1;
	s10 =	sld [smem:$0x3FBB];
	_ =	sdelay $0x3  }
0x37: {  	[smem:$0x3FBB] =	sst s10  }
0x38: {  	s10 =	sld [smem:$0x3FBC]  }
0x39: {  	_ = 	snop;
	(pc) =	sbr.ind lr, $3  }
0x3a: {  	_ = 	snop  }
0x3b: {  	_ = 	snop  }
0x3c: {  	p2 =	seq.s32 s10, $0x1;
	s10 =	sld [smem:$0x3FBB]  }
0x3d: {  	_ =	shalt  }
0x3e: {  	_ =	shalt  }
0x3f: {  	_ =	shalt  }
0x40: {  	_ =	shalt  }
0x41: {  	_ =	shalt  }
0x42: {  	_ =	shalt  }
0x43: {  	_ =	shalt  }
0x44: {  	_ =	shalt  }
0x45: {  	_ =	shalt  }
0x46: {  	_ =	shalt  }
0x47: {  	_ =	shalt  }
0x48: {  	_ =	shalt  }
0x49: {  	_ =	shalt  }
0x4a: {  	_ =	shalt  }
0x4b: {  	_ =	shalt  }
0x4c: {  	_ =	shalt  }
0x4d: {  	_ =	shalt  }
0x4e: {  	_ =	shalt  }
0x4f: {  	_ =	shalt  }
0x50: {  	_ =	shalt  }
0x51: {  	_ =	shalt  }
0x52: {  	_ =	shalt  }
0x53: {  	_ =	shalt  }
0x54: {  	_ =	shalt  }
0x55: {  	_ =	shalt  }
0x56: {  	_ =	shalt  }
0x57: {  	_ =	shalt  }
0x58: {  	_ =	shalt  }
0x59: {  	_ =	shalt  }
0x5a: {  	_ =	shalt  }
0x5b: {  	_ =	shalt  }
0x5c: {  	_ =	shalt  }
0x5d: {  	_ =	shalt  }
0x5e: {  	_ =	shalt  }
0x5f: {  	_ =	shalt  }
0x60: {  	_ =	shalt  }
0x61: {  	_ =	shalt  }
0x62: {  	_ =	shalt  }
0x63: {  	_ =	shalt  }
0x64: {  	_ =	shalt  }
0x65: {  	_ =	shalt  }
0x66: {  	_ =	shalt  }
0x67: {  	_ =	shalt  }
0x68: {  	_ =	shalt  }
0x69: {  	_ =	shalt  }
0x6a: {  	_ =	shalt  }
0x6b: {  	_ =	shalt  }
0x6c: {  	_ =	shalt  }
0x6d: {  	_ =	shalt  }
0x6e: {  	_ =	shalt  }
0x6f: {  	_ =	shalt  }
0x70: {  	_ =	shalt  }
0x71: {  	_ =	shalt  }
0x72: {  	_ =	shalt  }
0x73: {  	_ =	shalt  }
0x74: {  	_ =	shalt  }
0x75: {  	_ =	shalt  }
0x76: {  	_ =	shalt  }
0x77: {  	_ =	shalt  }
0x78: {  	_ =	shalt  }
0x79: {  	_ =	shalt  }
0x7a: {  	_ =	shalt  }
0x7b: {  	_ =	shalt  }
0x7c: {  	_ =	shalt  }
0x7d: {  	_ =	shalt  }
0x7e: {  	_ =	shalt  }
0x7f: {  	_ =	shalt  }
0x80: {  	_ =	shalt  }
0x81: {  	_ =	shalt  }
0x82: {  	_ =	shalt  }
0x83: {  	_ =	shalt  }
0x84: {  	_ =	shalt  }
0x85: {  	_ =	shalt  }
0x86: {  	_ =	shalt  }
0x87: {  	_ =	shalt  }
.Lfunc_end0:
.L_simem_size_0:
called_computation.1_lowered:
.L_overlay_start_0:
0x88: {  	s2 =	sld [smem:$0x3FD9]  }
0x89: {  	s3 =	sld [smem:$0x3FFE];
	_ =	sdelay $0x1  }
0x8a: {  	s1 =	srdreg.scid  }
0x8b: {  	s0 =	sand.u32 $0x1, s1  }
0x8c: {  	s17 =	sshll.u32 s0, $0xA;
	s2 =	sadd.s32 s3, s2  }
0x8d: {  	s2 =	sadd.s32 s2, s17  }
0x8e: {  	[smem:$0x3FC7] =	sst s2  }
0x8f: {  	_ = 	snop  }
0x90: {  	s2 =	sld [smem:$0x3FC9]  }
0x91: {  	s18 =	sld [smem:$0x3FD0];
	(tm) =	ssettm $0x1  }
0x92: {  	s4 =	sld [smem:$0x3FFB];
	_ =	sdelay $0x3  }
0x93: {  	_ =	strace s4  }
0x94: {  	s4 =	sld [smem:$0x3FFC];
	_ =	sdelay $0x3  }
0x95: {  	_ =	strace s4  }
0x96: {  	s4 =	sld [smem:$0x3FFD];
	_ =	sdelay $0x3  }
0x97: {  	_ =	strace s4  }
0x98: {  	_ =	strace $0x8FFFFFFF  }
0x99: {  	s19 =	sld [smem:$0x3FDB];
	_ =	sdelay $0x1  }
0x9a: {  	s5 =	simm.s32 $_scs_section_size  }
0x9b: {  	s6 =	simm.s32 $_size__tile_overlayer_lowered;
	s7 =	simm.s32 $_tile_overlayer_lowered  }
0x9c: {  	s22 =	simm.s32 $0x1BFF;
	s21 =	sshll.u32 s7, $0x1;
	s4 =	sadd.s32 s5, s19  }
0x9d: {  	s8 =	simm.s32 $0x0;
	s20 =	sshll.u32 s6, $0x1;
	s6 =	sadd.s32 s21, s4  }
0x9e: {  	[timem:s8], [sflag:s22] =	dma.local [hbm:s6], s20  }
0x9f: {  	_ =	swait.ge [sflag:s22], s20  }
0xa0: {  	s5 =	ssub.s32 $0x0, s20;
	[sflag:s22] =	ssyncset.done $0x0  }
0xa1: {  	[sflag:s22] =	ssyncadd.s32 s5;
	_ =	sdelay $0x1  }
0xa2: {  	s23 =	simm.s32 $0x1B8B  }
0xa3: {  	_ =	swait.ge [sflag:s23], $0x1  }
0xa4: {  	[sflag:s23] =	ssyncset.done $0x0  }
0xa5: {  	s25 =	simm.s32 $0x1B8E;
	s24 =	sld [smem:$0x3FFE];
	[sflag:s23] =	ssyncadd.s32 $0xFFFFFFFF  }
0xa6: {  	s26 =	simm.s32 $execute0_lowered;
	[smem:$0x3FD2] =	sst s25  }
0xa7: {  	s6 =	sshll.u32 s26, $0x1;
	_ =	strace $0x80000049;
	[dreg:$0x1] =	wrdreg $0xFFFFFFFF  }
0xa8: {  	s28 =	simm.s32 $_size_execute0_lowered;
	s4 =	sadd.s32 s4, s6;
	[dreg:$0x0] =	wrdreg $0x0  }
0xa9: {  	s6 =	sshll.u32 s28, $0x1;
	[dreg:$0x2] =	wrdreg s4  }
0xaa: {  	[dreg:$0x3] =	wrdreg s6  }
0xab: {  	[dreg:$0x4] =	wrdreg $0xC0  }
0xac: {  	_ =	task [dreg:s8], $0x5FFFF  }
0xad: {  	[dreg:$0x1] =	wrdreg $0xFFFFFFFF  }
0xae: {  	[dreg:$0x0] =	wrdreg $0x60  }
0xaf: {  	[dreg:$0x2] =	wrdreg s2  }
0xb0: {  	[dreg:$0x3] =	wrdreg s24  }
0xb1: {  	[dreg:$0x4] =	wrdreg s18  }
0xb2: {  	[dreg:$0x5] =	wrdreg $0x9  }
0xb3: {  	_ =	task.clear_ibuf [dreg:s8], $0x6FFFF;
	_ =	strace $0x90000049  }
0xb4: {  	s29 =	simm.s32 $0x9;
	_ =	strace $0x8000004B  }
0xb5: {  	_ =	swait.ge [sflag:s29], $0x1  }
0xb6: {  	[sflag:s29] =	ssyncadd.s32 $0xFFFFFFFF  }
0xb7: {  	_ =	strace $0x9000004B  }
0xb8: {  	_ =	sfence  }
0xb9: {  	s30 =	sld [smem:$0x0];
	_ =	sdelay $0x2  }
0xba: {  	s31 =	sshll.u32 s1, $0xD;
	s1 =	sshrl.u32 s1, $0x2  }
0xbb: {  	s3 =	sand.u32 $0x4000, s31;
	s1 =	sadd.s32 s1, s30  }
0xbc: {  	s0 =	sor.u32 s3, s0;
	s1 =	sshll.u32 s1, $0x11  }
0xbd: {  	s0 =	sor.u32 s1, s0  }
0xbe: {  	s0 =	sadd.s32 $0x8F2B, s0  }
0xbf: {  	[sflag:s0] =	ssyncadd.remote.s32 $0x1  }
0xc0: {  	_ =	sfence.sel $0xFFFF  }
0xc1: {  	[dreg:$0x0] =	wrdreg $0xFFFFFFFF;
	(pc) =	sbr.abs _section_cstart, $3  }
0xc2: {  	[dreg:$0x1] =	wrdreg $0xFFFFFFFF  }
0xc3: {  	_ =	task.clear_ibuf [dreg:s8], $0x2FFFF;
	_ =	strace $0x9FFFFFFF  }
0xc4: {  	(tm) =	ssettm $0x7FFFFFFF  }
0xc5: {  	_ =	shalt  }
tec
execute0_lowered:
.L_overlay_start_1:
0x0: {  	(tag) =	ssettag $0x1  }
0x1: {  	s4 =	rddreg [dreg:$0x0]  }
0x2: {  	s3 =	rddreg [dreg:$0x1]  }
0x3: {  	s5 =	rddreg [dreg:$0x2];
	s1 =	simm.s32 $0x0;
	v0 =	vimm.s32 $0xFEDCBA98;
	v2 =	vimm.s32 $0x76543210  }
0x4: {  	v1 =	vimm.f32 $2.097152000e+06;
	v3 =	vimm.s32 $0x32107654;
	v4 =	vimm.s32 $0xDCFE98BA;
	[smem:$0x7FF] =	sst s1  }
0x5: {  	s0 =	rddreg [dreg:$0x3];
	v5 =	vimm.s32 $0x54761032;
	v6 =	vimm.s32 $0xEFCDAB89;
	_ =	strace $0x8000004A  }
0x6: {  	v7 =	vimm.s32 $0x67452301;
	(erf) = vrcp.f32 v1;
	v1 =	vimm.f32 $2.097151000e+06  }
0x7: {  	v0 =	vunpack.c.l.s4.s8 v0;
	v3 =	vunpack.c.l.s4.s8 v3;
	(erf) = vrcp.f32 v1  }
0x8: {  	v4 =	vunpack.c.l.s4.s8 v4;
	v1 =	vunpack.c.l.s4.s8 v2;
	v2 =	vimm.s32 $0xBA98FEDC  }
0x9: {  	v5 =	vunpack.c.l.s4.s8 v5;
	v6 =	vunpack.c.l.s4.s8 v6;
	v2 =	vunpack.c.l.s4.s8 v2  }
0xa: {  	v7 =	vunpack.c.l.s4.s8 v7;
	v0 =	vunpack.c.0.s8.s32 v0;
	v3 =	vunpack.c.0.s8.s32 v3  }
0xb: {  	s6 =	srdreg.scid;
	v4 =	vunpack.c.0.s8.s32 v4;
	v5 =	vunpack.c.0.s8.s32 v5;
	v2 =	vunpack.c.0.s8.s32 v2  }
0xc: {  	s2 =	stileid.u32;
	s6 =	sand.u32 $0x1, s6;
	v6 =	vunpack.c.0.s8.s32 v6;
	v7 =	vunpack.c.0.s8.s32 v7  }
0xd: {  	s8 =	sshll.u32 s2, $0xE;
	s7 =	ssub.s32 $0x2, s6;
	s6 =	sshll.u32 s6, $0xD;
	v4 =	vcombine.low v5, v4;
	v3 =	vcombine.low v3, v2;
	v2 =	vand.u32 $0xF, v0  }
0xe: {  	s3 =	sadd.s32 $0x800, s3;
	s6 =	sor.u32 s6, s8;
	s31 =	sshrl.u32 s7, $0x1;
	v5 =	vcombine.low v7, v6;
	v1 =	vunpack.c.0.s8.s32 v1  }
0xf: {  	s8 =	simm.s32 $0x0;
	s7 =	ssub.s32 s7, s31;
	s4 =	sadd.s32 s4, s6;
	v4 =	vand.u32 $0xF, v4;
	v0 =	vpop (erf)  }
0x10: {  	s5 =	sadd.s32 s5, s6;
	s6 =	smax.u32 s7, $0x1;
	s7 =	simm.s32 $0x1;
	v5 =	vand.u32 $0xF, v5;
	v1 =	vcombine.low v2, v1;
	v3 =	vand.u32 $0xF, v3;
	v2 =	vpop (erf)  }
.LBB2_1:
0x11: {  	[tilespmem:s1], [sflag:$0x1] =	stream.linear.gather [hbm4b:s4+s1], $0x10000, $0x38;
	[tilespmem:$0x14000] =	vst v63  }
0x12: {  	_ =	swait.ge [sflag:s7], $0x10000  }
0x13: {  	s9 =	simm.s32 $0x10000;
	s10 =	simm.s32 $0x40;
	[sflag:s7] =	ssyncset.done $0x0  }
0x14: {  	s12 =	sadd.s32 $0x0, s3;
	s11 =	simm.s32 $0x10200;
	[sflag:s7] =	ssyncadd.s32 $0xFFFF0000  }
.LBB2_2:
0x15: {  	[tilespmem:s9], [sflag:$0x1] =	stream.linear.gather [hbm4b:s12+s1], $0x180, $0x38;
	[tilespmem:$0x14000] =	vst v63  }
0x16: {  	s12 =	smov.u32 s10;
	s9 =	smov.u32 s11;
	p0 =	sne.s32 s10, $0x7C0  }
.Ltmp0:
0x17: {  	s10 =	sadd.s32 $0x40, s10;
	(pc) =	sbr.rel @p0 .LBB2_2-.Ltmp0, $2  }
0x18: {  	_ =	sdelay $0x2  }
0x19: {  	s11 =	sadd.s32 $0x200, s11;
	s12 =	sadd.s32 s12, s3  }
0x1a: {  	[tilespmem:s9], [sflag:$0x1] =	stream.linear.gather [hbm4b:s12+s1], $0x180, $0x38;
	[tilespmem:$0x14000] =	vst v63  }
0x1b: {  	_ =	swait.ge [sflag:s7], $0x3000  }
0x1c: {  	[sflag:s7] =	ssyncset.done $0x0  }
0x1d: {  	[sflag:s7] =	ssyncadd.s32 $0xFFFFD000  }
0x1e: {  	v6 =	vld [tilespmem:$0x10000];
	_ =	sdelay $0x1  }
0x1f: {  	v7 =	vld [tilespmem:$0x10200]  }
0x20: {  	v8 =	vld [tilespmem:$0x10080]  }
0x21: {  	v9 =	vld [tilespmem:$0x10400]  }
0x22: {  	v10 =	vld [tilespmem:$0x10280];
	v6 =	vadd.f32 $0.0e+00, v6  }
0x23: {  	v11 =	vld [tilespmem:$0x10600]  }
0x24: {  	v12 =	vld [tilespmem:$0x10800];
	v6 =	vadd.f32 v7, v6  }
0x25: {  	v7 =	vld [tilespmem:$0x10480]  }
0x26: {  	v13 =	vld [tilespmem:$0x10A00];
	v8 =	vadd.f32 $0.0e+00, v8;
	v6 =	vadd.f32 v9, v6  }
0x27: {  	v9 =	vld [tilespmem:$0x10680]  }
0x28: {  	v8 =	vadd.f32 v10, v8;
	v10 =	vld [tilespmem:$0x10880];
	v6 =	vadd.f32 v11, v6  }
0x29: {  	v11 =	vld [tilespmem:$0x10C00]  }
0x2a: {  	v7 =	vadd.f32 v7, v8;
	v8 =	vld [tilespmem:$0x10A80];
	v6 =	vadd.f32 v12, v6  }
0x2b: {  	v12 =	vld [tilespmem:$0x10E00]  }
0x2c: {  	v7 =	vadd.f32 v9, v7;
	v9 =	vld [tilespmem:$0x10C80];
	v6 =	vadd.f32 v13, v6  }
0x2d: {  	v13 =	vld [tilespmem:$0x11000]  }
0x2e: {  	v7 =	vadd.f32 v10, v7;
	v10 =	vld [tilespmem:$0x10E80];
	v6 =	vadd.f32 v11, v6  }
0x2f: {  	v11 =	vld [tilespmem:$0x11200]  }
0x30: {  	v7 =	vadd.f32 v8, v7;
	v8 =	vld [tilespmem:$0x11080];
	v6 =	vadd.f32 v12, v6  }
0x31: {  	v12 =	vld [tilespmem:$0x11400]  }
0x32: {  	v7 =	vadd.f32 v9, v7;
	v9 =	vld [tilespmem:$0x11280];
	v6 =	vadd.f32 v13, v6  }
0x33: {  	v13 =	vld [tilespmem:$0x11600]  }
0x34: {  	v7 =	vadd.f32 v10, v7;
	v10 =	vld [tilespmem:$0x11480];
	v6 =	vadd.f32 v11, v6  }
0x35: {  	v11 =	vld [tilespmem:$0x11800]  }
0x36: {  	v7 =	vadd.f32 v8, v7;
	v8 =	vld [tilespmem:$0x11680];
	v6 =	vadd.f32 v12, v6  }
0x37: {  	v12 =	vld [tilespmem:$0x11A00]  }
0x38: {  	v7 =	vadd.f32 v9, v7;
	v9 =	vld [tilespmem:$0x11880];
	v6 =	vadd.f32 v13, v6  }
0x39: {  	v13 =	vld [tilespmem:$0x11C00]  }
0x3a: {  	v7 =	vadd.f32 v10, v7;
	v10 =	vld [tilespmem:$0x11A80];
	v6 =	vadd.f32 v11, v6  }
0x3b: {  	v11 =	vld [tilespmem:$0x11E00]  }
0x3c: {  	v7 =	vadd.f32 v8, v7;
	v8 =	vld [tilespmem:$0x11C80];
	v6 =	vadd.f32 v12, v6  }
0x3d: {  	v12 =	vld [tilespmem:$0x12000]  }
0x3e: {  	v7 =	vadd.f32 v9, v7;
	v9 =	vld [tilespmem:$0x11E80];
	v6 =	vadd.f32 v13, v6  }
0x3f: {  	v13 =	vld [tilespmem:$0x12200]  }
0x40: {  	v7 =	vadd.f32 v10, v7;
	v10 =	vld [tilespmem:$0x12080];
	v6 =	vadd.f32 v11, v6  }
0x41: {  	v11 =	vld [tilespmem:$0x12400]  }
0x42: {  	v7 =	vadd.f32 v8, v7;
	v8 =	vld [tilespmem:$0x12280];
	v6 =	vadd.f32 v12, v6  }
0x43: {  	v12 =	vld [tilespmem:$0x12600]  }
0x44: {  	v7 =	vadd.f32 v9, v7;
	v9 =	vld [tilespmem:$0x12480];
	v6 =	vadd.f32 v13, v6  }
0x45: {  	v13 =	vld [tilespmem:$0x12800]  }
0x46: {  	v7 =	vadd.f32 v10, v7;
	v10 =	vld [tilespmem:$0x12680];
	v6 =	vadd.f32 v11, v6  }
0x47: {  	v11 =	vld [tilespmem:$0x12A00]  }
0x48: {  	v7 =	vadd.f32 v8, v7;
	v8 =	vld [tilespmem:$0x12880];
	v6 =	vadd.f32 v12, v6  }
0x49: {  	v12 =	vld [tilespmem:$0x12C00]  }
0x4a: {  	v7 =	vadd.f32 v9, v7;
	v9 =	vld [tilespmem:$0x12A80];
	v6 =	vadd.f32 v13, v6  }
0x4b: {  	v13 =	vld [tilespmem:$0x12E00]  }
0x4c: {  	v7 =	vadd.f32 v10, v7;
	v10 =	vld [tilespmem:$0x12C80];
	v6 =	vadd.f32 v11, v6  }
0x4d: {  	v11 =	vld [tilespmem:$0x13000]  }
0x4e: {  	v7 =	vadd.f32 v8, v7;
	v8 =	vld [tilespmem:$0x12E80];
	v6 =	vadd.f32 v12, v6  }
0x4f: {  	v12 =	vld [tilespmem:$0x13200]  }
0x50: {  	v7 =	vadd.f32 v9, v7;
	v9 =	vld [tilespmem:$0x13080];
	v6 =	vadd.f32 v13, v6  }
0x51: {  	v13 =	vld [tilespmem:$0x13400]  }
0x52: {  	v7 =	vadd.f32 v10, v7;
	v10 =	vld [tilespmem:$0x13280];
	v6 =	vadd.f32 v11, v6  }
0x53: {  	v11 =	vld [tilespmem:$0x13600]  }
0x54: {  	v7 =	vadd.f32 v8, v7;
	v8 =	vld [tilespmem:$0x13480];
	v6 =	vadd.f32 v12, v6  }
0x55: {  	v12 =	vld [tilespmem:$0x13800]  }
0x56: {  	v7 =	vadd.f32 v9, v7;
	v9 =	vld [tilespmem:$0x13680];
	v6 =	vadd.f32 v13, v6  }
0x57: {  	v13 =	vld [tilespmem:$0x13A00]  }
0x58: {  	v7 =	vadd.f32 v10, v7;
	v10 =	vld [tilespmem:$0x13880];
	v6 =	vadd.f32 v11, v6  }
0x59: {  	v11 =	vld [tilespmem:$0x13C00]  }
0x5a: {  	v7 =	vadd.f32 v8, v7;
	v8 =	vld [tilespmem:$0x13A80];
	v6 =	vadd.f32 v12, v6  }
0x5b: {  	v12 =	vld [tilespmem:$0x13E00]  }
0x5c: {  	v7 =	vadd.f32 v9, v7;
	v6 =	vadd.f32 v13, v6  }
0x5d: {  	v9 =	vld [tilespmem:$0x13C80]  }
0x5e: {  	v7 =	vadd.f32 v10, v7;
	v6 =	vadd.f32 v11, v6  }
0x5f: {  	v10 =	vld [tilespmem:$0x13E80]  }
0x60: {  	v7 =	vadd.f32 v8, v7;
	v6 =	vadd.f32 v12, v6;
	_ =	sdelay $0x1  }
0x61: {  	v7 =	vadd.f32 v9, v7;
	v8 =	vperm.xlane v6, v1;
	_ =	sdelay $0x1  }
0x62: {  	v7 =	vadd.f32 v10, v7;
	v6 =	vadd.f32 v8, v6;
	_ =	sdelay $0x1  }
0x63: {  	v9 =	vperm.xlane v7, v1;
	v8 =	vperm.xlane v6, v3;
	_ =	sdelay $0x1  }
0x64: {  	v7 =	vadd.f32 v9, v7;
	v6 =	vadd.f32 v8, v6;
	_ =	sdelay $0x1  }
0x65: {  	v9 =	vperm.xlane v7, v3;
	v8 =	vperm.xlane v6, v4;
	_ =	sdelay $0x1  }
0x66: {  	v7 =	vadd.f32 v9, v7;
	v6 =	vadd.f32 v8, v6;
	_ =	sdelay $0x1  }
0x67: {  	v9 =	vperm.xlane v7, v4;
	v8 =	vperm.xlane v6, v5;
	_ =	sdelay $0x1  }
0x68: {  	v7 =	vadd.f32 v9, v7;
	v6 =	vadd.f32 v8, v6;
	_ =	sdelay $0x1  }
0x69: {  	v8 =	vperm.xlane v7, v5;
	v6 =	vmul.f32 v6, v6;
	_ =	sdelay $0x1  }
0x6a: {  	v7 =	vadd.f32 v8, v7;
	v6 =	vmul.f32 v6, v0;
	_ =	sdelay $0x1  }
0x6b: {  	v6 =	vsub.f32 v7, v6;
	_ =	sdelay $0x1  }
0x6c: {  	v6 =	vmul.f32 v6, v2;
	_ =	sdelay $0x1  }
0x6d: {  	v7 =	vshrl.u32 v6, $0x1  }
0x6e: {  	v7 =	vadd.s32 $0x1FBD1DF5, v7  }
0x6f: {  	(erf) = vrcp.f32 v7;
	_ =	sdelay $0x8  }
0x70: {  	v8 =	vpop (erf)  }
0x71: {  	v8 =	vmul.f32 v8, v6;
	_ =	sdelay $0x1  }
0x72: {  	v7 =	vadd.f32 v7, v8  }
0x73: {  	v8 =	vld [tilespmem:$0x10100]  }
0x74: {  	v9 =	vld [tilespmem:$0x10300];
	v7 =	vmul.f32 $5.000000000e-01, v7  }
0x75: {  	v10 =	vld [tilespmem:$0x10500]  }
0x76: {  	v11 =	vld [tilespmem:$0x10700];
	(erf) = vrcp.f32 v7  }
0x77: {  	v12 =	vld [tilespmem:$0x10900]  }
0x78: {  	v13 =	vld [tilespmem:$0x10B00];
	v8 =	vmax.f32 v8, $0.0e+00  }
0x79: {  	v8 =	vmax.f32 v8, v9;
	v9 =	vld [tilespmem:$0x10D00]  }
0x7a: {  	v8 =	vmax.f32 v8, v10;
	v10 =	vld [tilespmem:$0x10F00]  }
0x7b: {  	v8 =	vmax.f32 v8, v11;
	v11 =	vld [tilespmem:$0x11100]  }
0x7c: {  	v8 =	vmax.f32 v8, v12;
	v12 =	vld [tilespmem:$0x11300]  }
0x7d: {  	v8 =	vmax.f32 v8, v13;
	v13 =	vld [tilespmem:$0x11500]  }
0x7e: {  	v8 =	vmax.f32 v8, v9;
	v9 =	vld [tilespmem:$0x11700]  }
0x7f: {  	v8 =	vmax.f32 v8, v10;
	v10 =	vld [tilespmem:$0x11900];
	v14 =	vpop (erf)  }
0x80: {  	v8 =	vmax.f32 v8, v11;
	v11 =	vld [tilespmem:$0x11B00];
	v14 =	vmul.f32 v14, v6  }
0x81: {  	v8 =	vmax.f32 v8, v12;
	v12 =	vld [tilespmem:$0x11D00]  }
0x82: {  	v8 =	vmax.f32 v8, v13;
	v13 =	vld [tilespmem:$0x11F00];
	v7 =	vadd.f32 v14, v7  }
0x83: {  	v8 =	vmax.f32 v8, v9;
	v9 =	vld [tilespmem:$0x12100]  }
0x84: {  	v8 =	vmax.f32 v8, v10;
	v10 =	vld [tilespmem:$0x12300];
	v7 =	vmul.f32 $5.000000000e-01, v7  }
0x85: {  	v8 =	vmax.f32 v8, v11;
	v11 =	vld [tilespmem:$0x12500]  }
0x86: {  	v8 =	vmax.f32 v8, v12;
	v12 =	vld [tilespmem:$0x12700];
	(erf) = vrcp.f32 v7  }
0x87: {  	v8 =	vmax.f32 v8, v13;
	v13 =	vld [tilespmem:$0x12900]  }
0x88: {  	v8 =	vmax.f32 v8, v9;
	v9 =	vld [tilespmem:$0x12B00]  }
0x89: {  	v8 =	vmax.f32 v8, v10;
	v10 =	vld [tilespmem:$0x12D00]  }
0x8a: {  	v8 =	vmax.f32 v8, v11;
	v11 =	vld [tilespmem:$0x12F00]  }
0x8b: {  	v8 =	vmax.f32 v8, v12;
	v12 =	vld [tilespmem:$0x13100]  }
0x8c: {  	v8 =	vmax.f32 v8, v13;
	v13 =	vld [tilespmem:$0x13300]  }
0x8d: {  	v8 =	vmax.f32 v8, v9;
	v9 =	vld [tilespmem:$0x13500]  }
0x8e: {  	v8 =	vmax.f32 v8, v10;
	v10 =	vld [tilespmem:$0x13700]  }
0x8f: {  	v8 =	vmax.f32 v8, v11;
	v11 =	vld [tilespmem:$0x13900];
	v14 =	vpop (erf)  }
0x90: {  	v8 =	vmax.f32 v8, v12;
	v12 =	vld [tilespmem:$0x13B00];
	v14 =	vmul.f32 v14, v6  }
0x91: {  	v8 =	vmax.f32 v8, v13;
	v13 =	vld [tilespmem:$0x13D00]  }
0x92: {  	v8 =	vmax.f32 v8, v9;
	v9 =	vld [tilespmem:$0x13F00];
	v7 =	vadd.f32 v14, v7  }
0x93: {  	v8 =	vmax.f32 v8, v10  }
0x94: {  	v8 =	vmax.f32 v8, v11;
	v7 =	vmul.f32 $5.000000000e-01, v7  }
0x95: {  	v8 =	vmax.f32 v8, v12  }
0x96: {  	v8 =	vmax.f32 v8, v13;
	(erf) = vrcp.f32 v7  }
0x97: {  	v8 =	vmax.f32 v8, v9  }
0x98: {  	v9 =	vperm.xlane v8, v1;
	_ =	sdelay $0x1  }
0x99: {  	v8 =	vmax.f32 v8, v9  }
0x9a: {  	v9 =	vperm.xlane v8, v3;
	_ =	sdelay $0x3  }
0x9b: {  	v8 =	vmax.f32 v8, v9;
	v9 =	vpop (erf)  }
0x9c: {  	v6 =	vmul.f32 v9, v6;
	_ =	sdelay $0x1  }
0x9d: {  	v10 =	vperm.xlane v8, v4;
	v6 =	vadd.f32 v6, v7;
	_ =	sdelay $0x1  }
0x9e: {  	s9 =	simm.s32 $0x80;
	v8 =	vmax.f32 v8, v10;
	v6 =	vmul.f32 $5.000000000e-01, v6  }
0x9f: {  	v15 =	vld [tilespmem:s9+$0xFFFFFF90];
	v7 =	vperm.xlane v8, v5  }
0xa0: {  	v18 =	vld [tilespmem:s9+$0x20];
	v6 =	vadd.f32 $9.999999970e-07, v6  }
0xa1: {  	v21 =	vld [tilespmem:s9+$0xFFFFFFB0];
	v7 =	vmax.f32 v8, v7  }
0xa2: {  	v32 =	vld [tilespmem:s9+$0x50];
	v7 =	vmul.f32 v7, v7;
	(erf) = vrcp.f32 v6  }
0xa3: {  	v14 =	vld [tilespmem:s9+$0xFFFFFF80]  }
0xa4: {  	v10 =	vld [tilespmem:s9+$0x70];
	v6 =	vadd.f32 $9.999999970e-07, v7  }
0xa5: {  	v9 =	vld [tilespmem:s9+$0x10]  }
0xa6: {  	v8 =	vld [tilespmem:s9+$0xFFFFFFA0];
	(erf) = vrcp.f32 v6  }
0xa7: {  	v19 =	vand.u32 $0x7FFFFFFF, v15;
	v22 =	vand.u32 $0x7FFFFFFF, v18  }
0xa8: {  	v24 =	vld [tilespmem:s9+$0xFFFFFFC0];
	v18 =	vmul.f32 v18, v18;
	v25 =	vand.u32 $0x7FFFFFFF, v21;
	v21 =	vmul.f32 v21, v21  }
0xa9: {  	v15 =	vmul.f32 v15, v15;
	v17 =	vand.u32 $0x7FFFFFFF, v14;
	v50 =	vmul.f32 v14, v14  }
0xaa: {  	v14 =	vmul.f32 v32, v32;
	v11 =	vand.u32 $0x7FFFFFFF, v10;
	v10 =	vmul.f32 v10, v10  }
0xab: {  	v13 =	vand.u32 $0x7FFFFFFF, v9;
	v9 =	vmul.f32 v9, v9;
	v6 =	vand.u32 $0x7FFFFFFF, v8;
	v7 =	vpop (erf)  }
0xac: {  	v8 =	vmul.f32 v8, v8;
	v12 =	vmul.f32 v6, v7  }
0xad: {  	v29 =	vand.u32 $0x7FFFFFFF, v24;
	v11 =	vmul.f32 v11, v7;
	v13 =	vmul.f32 v13, v7  }
0xae: {  	v17 =	vmul.f32 v17, v7;
	v19 =	vmul.f32 v19, v7;
	v12 =	vsub.f32 $2.000000000e+00, v12  }
0xaf: {  	v29 =	vmul.f32 v29, v7;
	v6 =	vpop (erf);
	v11 =	vsub.f32 $2.000000000e+00, v11;
	v13 =	vsub.f32 $2.000000000e+00, v13  }
0xb0: {  	v6 =	vmul.f32 $3.000000120e-01, v6;
	v19 =	vsub.f32 $2.000000000e+00, v19;
	v12 =	vmul.f32 $1.442695020e+00, v12  }
0xb1: {  	v16 =	vld [tilespmem:s9+$0x30];
	v20 =	vmul.f32 $1.442695020e+00, v11;
	v13 =	vmul.f32 $1.442695020e+00, v13  }
0xb2: {  	v19 =	vmul.f32 $1.442695020e+00, v19;
	v27 =	vmul.f32 v9, v6  }
0xb3: {  	v9 =	vmul.f32 v25, v7;
	(erf) = vpow2.f32 v20  }
0xb4: {  	v11 =	vld [tilespmem:s9+$0xFFFFFFF0];
	v58 =	vmul.f32 v10, v6;
	(erf) = vpow2.f32 v12  }
0xb5: {  	v20 =	vmul.f32 v8, v6;
	v8 =	vsub.f32 $2.000000000e+00, v17;
	(erf) = vpow2.f32 v13  }
0xb6: {  	v17 =	vld [tilespmem:s9+$0x40];
	v9 =	vsub.f32 $2.000000000e+00, v9;
	v12 =	vand.u32 $0x7FFFFFFF, v16;
	v16 =	vmul.f32 v16, v16  }
0xb7: {  	v23 =	vmul.f32 v12, v7;
	v8 =	vmul.f32 $1.442695020e+00, v8  }
0xb8: {  	v39 =	vand.u32 $0x7FFFFFFF, v32;
	v9 =	vmul.f32 $1.442695020e+00, v9;
	(erf) = vpow2.f32 v19  }
0xb9: {  	v26 =	vand.u32 $0x7FFFFFFF, v11;
	v19 =	vmul.f32 v22, v7;
	v16 =	vmul.f32 v16, v6  }
0xba: {  	v12 =	vld [tilespmem:s9+$0x0];
	v61 =	vmul.f32 v11, v11;
	v23 =	vsub.f32 $2.000000000e+00, v23;
	(erf) = vpow2.f32 v8  }
0xbb: {  	v36 =	vmul.f32 v26, v7;
	v37 =	vand.u32 $0x7FFFFFFF, v17;
	(erf) = vpow2.f32 v9  }
0xbc: {  	v13 =	vld [tilespmem:s9+$0x60];
	v19 =	vsub.f32 $2.000000000e+00, v19;
	v10 =	vmul.f32 v17, v17;
	v23 =	vmul.f32 $1.442695020e+00, v23;
	v28 =	vpop (erf)  }
0xbd: {  	v26 =	vmul.f32 v37, v7;
	v25 =	vsub.f32 $2.000000000e+00, v36;
	v36 =	vmul.f32 v15, v6;
	v31 =	vpop (erf)  }
0xbe: {  	v15 =	vmul.f32 v18, v6;
	(erf) = vpow2.f32 v23;
	v31 =	vadd.f32 $1.000000000e+00, v31;
	v8 =	vpop (erf)  }
0xbf: {  	v33 =	vld [tilespmem:s9+$0xFFFFFFD0];
	v22 =	vand.u32 $0x7FFFFFFF, v12;
	v19 =	vmul.f32 $1.442695020e+00, v19;
	v34 =	vadd.f32 $1.000000000e+00, v8  }
0xc0: {  	v26 =	vsub.f32 $2.000000000e+00, v26;
	v22 =	vmul.f32 v22, v7;
	(erf) = vrcp.f32 v31  }
0xc1: {  	v30 =	vand.u32 $0x7FFFFFFF, v13;
	v12 =	vmul.f32 v12, v12;
	(erf) = vrcp.f32 v34  }
0xc2: {  	v38 =	vmul.f32 v30, v7;
	v9 =	vmul.f32 $1.442695020e+00, v26;
	v22 =	vsub.f32 $2.000000000e+00, v22  }
0xc3: {  	v23 =	vsub.f32 $2.000000000e+00, v29;
	v29 =	vmul.f32 v39, v7;
	v25 =	vmul.f32 $1.442695020e+00, v25  }
0xc4: {  	v40 =	vand.u32 $0x7FFFFFFF, v33;
	v42 =	vpop (erf);
	v22 =	vmul.f32 $1.442695020e+00, v22;
	(erf) = vpow2.f32 v9  }
0xc5: {  	v30 =	vmul.f32 v40, v7;
	v8 =	vld [tilespmem:s9+$0xFFFFFFE0];
	v43 =	vpop (erf);
	(erf) = vpow2.f32 v19  }
0xc6: {  	v23 =	vmul.f32 $1.442695020e+00, v23;
	v26 =	vsub.f32 $2.000000000e+00, v38;
	v35 =	vpop (erf);
	(erf) = vpow2.f32 v22  }
0xc7: {  	v19 =	vadd.f32 $1.000000000e+00, v43;
	v44 =	vpop (erf);
	v22 =	vsub.f32 $2.000000000e+00, v30;
	(erf) = vpow2.f32 v25  }
0xc8: {  	v26 =	vmul.f32 $1.442695020e+00, v26;
	v46 =	vadd.f32 $1.000000000e+00, v44;
	(erf) = vpow2.f32 v23  }
0xc9: {  	(erf) = vrcp.f32 v19;
	v19 =	vmul.f32 $1.442695020e+00, v22;
	v45 =	vpop (erf)  }
0xca: {  	v9 =	vmul.f32 v24, v24;
	v41 =	vand.u32 $0x7FFFFFFF, v8;
	v47 =	vpop (erf);
	(erf) = vrcp.f32 v46  }
0xcb: {  	v24 =	vmul.f32 v41, v7;
	v23 =	vadd.f32 $1.000000000e+00, v28;
	(erf) = vpow2.f32 v26  }
0xcc: {  	v49 =	vadd.f32 $1.000000000e+00, v35;
	v22 =	vadd.f32 $1.000000000e+00, v42;
	(erf) = vpow2.f32 v19  }
0xcd: {  	v24 =	vsub.f32 $2.000000000e+00, v24;
	v51 =	vmul.f32 $5.000000000e-01, v45;
	v19 =	vpop (erf);
	(erf) = vrcp.f32 v23  }
0xce: {  	v48 =	vmul.f32 $5.000000000e-01, v47;
	v52 =	vpop (erf);
	v53 =	vadd.f32 $1.000000000e+00, v19;
	v19 =	vmul.f32 v21, v6  }
0xcf: {  	v29 =	vsub.f32 $2.000000000e+00, v29;
	v21 =	vmul.f32 $1.442695020e+00, v24;
	v54 =	vpop (erf);
	(erf) = vrcp.f32 v49  }
0xd0: {  	v18 =	vadd.f32 v48, v27;
	v27 =	vadd.f32 $1.000000000e+00, v52;
	v55 =	vpop (erf);
	(erf) = vrcp.f32 v22  }
0xd1: {  	v13 =	vmul.f32 v13, v13;
	v20 =	vadd.f32 v51, v20;
	v22 =	vpop (erf);
	(erf) = vpow2.f32 v21  }
0xd2: {  	v29 =	vmul.f32 $1.442695020e+00, v29;
	v56 =	vpop (erf);
	v22 =	vadd.f32 $1.000000000e+00, v22;
	(erf) = vrcp.f32 v27  }
0xd3: {  	v20 =	vadd.f32 $1.809674800e-01, v20;
	v23 =	vadd.f32 $1.809674800e-01, v18;
	v21 =	vmul.f32 v50, v6;
	v57 =	vpop (erf)  }
0xd4: {  	v24 =	vadd.f32 $1.000000000e+00, v54;
	(erf) = vrcp.f32 v22;
	v22 =	vmul.f32 $5.000000000e-01, v56;
	v59 =	vpop (erf)  }
0xd5: {  	v26 =	vadd.f32 $1.000000000e+00, v55;
	v25 =	vmul.f32 $5.000000000e-01, v57;
	(erf) = vpow2.f32 v29;
	v17 =	vpop (erf)  }
0xd6: {  	v31 =	vadd.f32 $1.000000000e+00, v59;
	(erf) = vrcp.f32 v24;
	v11 =	vadd.f32 v22, v21;
	v60 =	vpop (erf)  }
0xd7: {  	v16 =	vadd.f32 v25, v16;
	(erf) = vrcp.f32 v26;
	v21 =	vmul.f32 $5.000000000e-01, v60  }
0xd8: {  	v18 =	vmul.f32 v33, v33;
	v17 =	vadd.f32 $1.000000000e+00, v17;
	v22 =	vpop (erf);
	(erf) = vrcp.f32 v31  }
0xd9: {  	[tilespmem:s9+$0x10] =	vst v23;
	v16 =	vadd.f32 $1.809674800e-01, v16;
	v23 =	vpop (erf);
	(erf) = vrcp.f32 v53;
	v21 =	vadd.f32 v21, v58  }
0xda: {  	[tilespmem:s9+$0xFFFFFFA0] =	vst v20;
	v62 =	vadd.f32 $1.809674800e-01, v11;
	v11 =	vmul.f32 v12, v6;
	v23 =	vmul.f32 $5.000000000e-01, v23;
	v12 =	vpop (erf)  }
0xdb: {  	[tilespmem:s9+$0x30] =	vst v16;
	v16 =	vadd.f32 $1.000000000e+00, v12;
	v12 =	vmul.f32 v61, v6;
	v63 =	vpop (erf);
	v20 =	vadd.f32 $1.809674800e-01, v21  }
0xdc: {  	s10 =	simm.s32 $0x0;
	s11 =	simm.s32 $0x180;
	[tilespmem:s9+$0xFFFFFF80] =	vst v62;
	v21 =	vadd.f32 v23, v36;
	v23 =	vmul.f32 $5.000000000e-01, v22;
	v22 =	vmul.f32 $5.000000000e-01, v63  }
.LBB2_4:
0xdd: {  	v24 =	vld [tilespmem:s11+$0xFFFFFFA0];
	s10 =	sadd.s32 $0x10, s10;
	v25 =	vmul.f32 v10, v6;
	v26 =	vmul.f32 v13, v6;
	[tilespmem:s9+$0x70] =	vst v20;
	v13 =	vpop (erf)  }
0xde: {  	v20 =	vmul.f32 v18, v6;
	v10 =	vld [tilespmem:s11+$0x70];
	p0 =	slt.u32 s10, $0xFF0;
	v19 =	vadd.f32 v23, v19;
	v15 =	vadd.f32 v22, v15;
	v18 =	vpop (erf)  }
0xdf: {  	v13 =	vmul.f32 $5.000000000e-01, v13;
	v22 =	vmul.f32 v14, v6;
	v28 =	vadd.f32 $1.000000000e+00, v18;
	v14 =	vpop (erf)  }
0xe0: {  	v29 =	vadd.f32 $1.809674800e-01, v21;
	v19 =	vadd.f32 $1.809674800e-01, v19;
	(erf) = vrcp.f32 v16;
	v16 =	vpop (erf)  }
0xe1: {  	v9 =	vmul.f32 v9, v6;
	v27 =	vadd.f32 $1.809674800e-01, v15;
	v23 =	vld [tilespmem:s11+$0x10];
	(erf) = vrcp.f32 v28;
	v18 =	vpop (erf)  }
0xe2: {  	v16 =	vmul.f32 $5.000000000e-01, v16;
	v28 =	vand.u32 $0x7FFFFFFF, v24;
	v24 =	vmul.f32 v24, v24;
	v15 =	vld [tilespmem:s11+$0x30];
	[tilespmem:s9+$0xFFFFFF90] =	vst v29;
	v21 =	vpop (erf)  }
0xe3: {  	v30 =	vmul.f32 $5.000000000e-01, v14;
	v29 =	vand.u32 $0x7FFFFFFF, v10;
	[tilespmem:s9+$0x20] =	vst v27;
	v21 =	vmul.f32 $5.000000000e-01, v21  }
0xe4: {  	v9 =	vadd.f32 v13, v9;
	v12 =	vadd.f32 v16, v12;
	v27 =	vld [tilespmem:s11+$0x20];
	v29 =	vmul.f32 v29, v7;
	[tilespmem:s9+$0xFFFFFFB0] =	vst v19  }
0xe5: {  	v11 =	vadd.f32 v30, v11;
	v13 =	vmul.f32 v28, v7;
	v14 =	vld [tilespmem:s11+$0xFFFFFF80];
	v16 =	vadd.f32 v21, v25  }
0xe6: {  	v9 =	vadd.f32 $1.809674800e-01, v9;
	v19 =	vmul.f32 v23, v23;
	v21 =	vsub.f32 $2.000000000e+00, v29  }
0xe7: {  	v25 =	vsub.f32 $2.000000000e+00, v13;
	v13 =	vmul.f32 v24, v6;
	v29 =	vmul.f32 $5.000000000e-01, v18  }
0xe8: {  	v30 =	vadd.f32 $1.809674800e-01, v11;
	v28 =	vand.u32 $0x7FFFFFFF, v15;
	v18 =	vld [tilespmem:s11+$0xFFFFFF90];
	[tilespmem:s9+$0xFFFFFFC0] =	vst v9;
	(erf) = vrcp.f32 v17  }
0xe9: {  	v25 =	vmul.f32 $1.442695020e+00, v25;
	v17 =	vand.u32 $0x7FFFFFFF, v23;
	v23 =	vadd.f32 v29, v26;
	v24 =	vpop (erf)  }
0xea: {  	v12 =	vadd.f32 $1.809674800e-01, v12;
	v26 =	vand.u32 $0x7FFFFFFF, v27;
	v11 =	vld [tilespmem:s11+$0xFFFFFFF0];
	v24 =	vmul.f32 $5.000000000e-01, v24;
	[tilespmem:s9+$0x0] =	vst v30;
	v9 =	vpop (erf)  }
0xeb: {  	v8 =	vmul.f32 v8, v8;
	v28 =	vmul.f32 v28, v7;
	v23 =	vadd.f32 $1.809674800e-01, v23  }
0xec: {  	v16 =	vadd.f32 $1.809674800e-01, v16;
	v17 =	vmul.f32 v17, v7;
	v29 =	vand.u32 $0x7FFFFFFF, v14;
	[tilespmem:s9+$0xFFFFFFF0] =	vst v12  }
0xed: {  	v21 =	vmul.f32 $1.442695020e+00, v21;
	v29 =	vmul.f32 v29, v7;
	v12 =	vand.u32 $0x7FFFFFFF, v18;
	v30 =	vld [tilespmem:s11+$0xFFFFFFB0];
	[tilespmem:s9+$0x60] =	vst v23  }
0xee: {  	v17 =	vsub.f32 $2.000000000e+00, v17;
	v9 =	vmul.f32 $5.000000000e-01, v9;
	v23 =	vmul.f32 v12, v7;
	v12 =	vld [tilespmem:s11+$0x0]  }
0xef: {  	v8 =	vmul.f32 v8, v6;
	v29 =	vsub.f32 $2.000000000e+00, v29;
	v31 =	vand.u32 $0x7FFFFFFF, v11;
	[tilespmem:s9+$0x40] =	vst v16  }
0xf0: {  	v16 =	vsub.f32 $2.000000000e+00, v23;
	v23 =	vmul.f32 $1.442695020e+00, v17;
	v17 =	vld [tilespmem:s11+$0x40];
	(erf) = vpow2.f32 v21  }
0xf1: {  	v9 =	vadd.f32 v9, v22;
	v21 =	vmul.f32 $1.442695020e+00, v29;
	(erf) = vpow2.f32 v25;
	v22 =	vpop (erf)  }
0xf2: {  	v8 =	vadd.f32 v24, v8;
	v25 =	vld [tilespmem:s11+$0xFFFFFFC0];
	(erf) = vpow2.f32 v23;
	v22 =	vmul.f32 $5.000000000e-01, v22  }
0xf3: {  	v27 =	vmul.f32 v27, v27;
	v23 =	vmul.f32 $1.442695020e+00, v16;
	v24 =	vand.u32 $0x7FFFFFFF, v12;
	v16 =	vld [tilespmem:s11+$0x60]  }
0xf4: {  	v19 =	vmul.f32 v19, v6;
	v8 =	vadd.f32 $1.809674800e-01, v8;
	v29 =	vand.u32 $0x7FFFFFFF, v30  }
0xf5: {  	v31 =	vmul.f32 v31, v7;
	v29 =	vmul.f32 v29, v7;
	v20 =	vadd.f32 v22, v20  }
0xf6: {  	v28 =	vsub.f32 $2.000000000e+00, v28;
	v22 =	vmul.f32 v30, v30;
	v30 =	vand.u32 $0x7FFFFFFF, v17;
	[tilespmem:s9+$0xFFFFFFE0] =	vst v8  }
0xf7: {  	v8 =	vsub.f32 $2.000000000e+00, v29;
	v30 =	vmul.f32 v30, v7;
	(erf) = vpow2.f32 v23  }
0xf8: {  	v20 =	vadd.f32 $1.809674800e-01, v20;
	v23 =	vmul.f32 v26, v7;
	v26 =	vmul.f32 $1.442695020e+00, v28  }
0xf9: {  	v9 =	vadd.f32 $1.809674800e-01, v9;
	v8 =	vmul.f32 $1.442695020e+00, v8;
	v28 =	vsub.f32 $2.000000000e+00, v30;
	v29 =	vpop (erf)  }
0xfa: {  	v31 =	vsub.f32 $2.000000000e+00, v31;
	v30 =	vand.u32 $0x7FFFFFFF, v25;
	v32 =	vand.u32 $0x7FFFFFFF, v16;
	v33 =	vpop (erf);
	[tilespmem:s9+$0xFFFFFFD0] =	vst v20  }
0xfb: {  	v24 =	vmul.f32 v24, v7;
	v20 =	vadd.f32 $1.000000000e+00, v33;
	v33 =	vld [tilespmem:s11+$0xFFFFFFD0];
	(erf) = vpow2.f32 v21;
	v21 =	vpop (erf);
	[tilespmem:s9+$0x50] =	vst v9;
	s9 =	smov.u32 s11  }
0xfc: {  	v9 =	vmul.f32 v30, v7;
	v21 =	vadd.f32 $1.000000000e+00, v21;
	v30 =	vld [tilespmem:s11+$0x50];
	(erf) = vpow2.f32 v8  }
0xfd: {  	v28 =	vmul.f32 $1.442695020e+00, v28;
	(erf) = vpow2.f32 v26  }
0xfe: {  	v23 =	vsub.f32 $2.000000000e+00, v23;
	v9 =	vsub.f32 $2.000000000e+00, v9;
	v8 =	vld [tilespmem:s11+$0xFFFFFFE0];
	(erf) = vrcp.f32 v20  }
0xff: {  	v20 =	vmul.f32 v32, v7;
	(erf) = vrcp.f32 v21  }
0x100: {  	v24 =	vsub.f32 $2.000000000e+00, v24;
	v23 =	vmul.f32 $1.442695020e+00, v23;
	v21 =	vmul.f32 $1.442695020e+00, v9;
	v26 =	vpop (erf)  }
0x101: {  	v32 =	vand.u32 $0x7FFFFFFF, v33;
	v9 =	vand.u32 $0x7FFFFFFF, v30;
	(erf) = vpow2.f32 v28  }
0x102: {  	v20 =	vsub.f32 $2.000000000e+00, v20;
	v28 =	vmul.f32 $1.442695020e+00, v31;
	v36 =	vmul.f32 v9, v7  }
0x103: {  	v24 =	vmul.f32 $1.442695020e+00, v24;
	v9 =	vmul.f32 v25, v25;
	v25 =	vand.u32 $0x7FFFFFFF, v8  }
0x104: {  	v34 =	vmul.f32 v15, v15;
	v25 =	vmul.f32 v25, v7;
	v37 =	vsub.f32 $2.000000000e+00, v36;
	v31 =	vpop (erf)  }
0x105: {  	v29 =	vadd.f32 $1.000000000e+00, v29;
	v38 =	vmul.f32 v32, v7;
	v31 =	vadd.f32 $1.000000000e+00, v31;
	v35 =	vpop (erf)  }
0x106: {  	v35 =	vadd.f32 $1.000000000e+00, v35;
	v36 =	vmul.f32 $1.442695020e+00, v37;
	(erf) = vpow2.f32 v23;
	v15 =	vpop (erf)  }
0x107: {  	v18 =	vmul.f32 v18, v18;
	v23 =	vsub.f32 $2.000000000e+00, v38;
	v32 =	vpop (erf);
	(erf) = vpow2.f32 v24  }
0x108: {  	v20 =	vmul.f32 $1.442695020e+00, v20;
	v15 =	vadd.f32 $1.000000000e+00, v15;
	(erf) = vpow2.f32 v28;
	v24 =	vpop (erf)  }
0x109: {  	v28 =	vmul.f32 v18, v6;
	(erf) = vpow2.f32 v21  }
0x10a: {  	v21 =	vadd.f32 $1.000000000e+00, v26;
	v18 =	vmul.f32 $5.000000000e-01, v24;
	(erf) = vrcp.f32 v31;
	v24 =	vpop (erf)  }
0x10b: {  	v23 =	vmul.f32 $1.442695020e+00, v23;
	(erf) = vrcp.f32 v15  }
0x10c: {  	v18 =	vadd.f32 v18, v19;
	v15 =	vmul.f32 v27, v6;
	(erf) = vpow2.f32 v20  }
0x10d: {  	v31 =	vsub.f32 $2.000000000e+00, v25;
	v20 =	vmul.f32 v14, v14;
	(erf) = vpow2.f32 v23  }
0x10e: {  	v14 =	vmul.f32 v30, v30;
	v23 =	vadd.f32 $1.809674800e-01, v18;
	(erf) = vrcp.f32 v29  }
0x10f: {  	v24 =	vadd.f32 $1.000000000e+00, v24;
	v18 =	vmul.f32 v33, v33;
	v29 =	vmul.f32 $5.000000000e-01, v32;
	v27 =	vpop (erf)  }
0x110: {  	v19 =	vmul.f32 v22, v6;
	v22 =	vmul.f32 $1.442695020e+00, v31;
	[tilespmem:s11+$0x10] =	vst v23;
	v23 =	vadd.f32 $1.000000000e+00, v27;
	v25 =	vpop (erf)  }
0x111: {  	v10 =	vmul.f32 v10, v10;
	v13 =	vadd.f32 v29, v13;
	(erf) = vrcp.f32 v35;
	v26 =	vpop (erf)  }
0x112: {  	v25 =	vadd.f32 $1.000000000e+00, v25;
	v26 =	vadd.f32 $1.000000000e+00, v26;
	(erf) = vrcp.f32 v21;
	v21 =	vpop (erf)  }
0x113: {  	v27 =	vmul.f32 v34, v6;
	v13 =	vadd.f32 $1.809674800e-01, v13;
	v29 =	vpop (erf);
	(erf) = vpow2.f32 v22  }
0x114: {  	v20 =	vmul.f32 v20, v6;
	v21 =	vadd.f32 $1.000000000e+00, v21;
	(erf) = vrcp.f32 v23;
	v22 =	vpop (erf)  }
0x115: {  	[tilespmem:s11+$0xFFFFFFA0] =	vst v13;
	v13 =	vmul.f32 $5.000000000e-01, v22;
	v22 =	vmul.f32 v10, v6;
	v23 =	vpop (erf)  }
0x116: {  	v10 =	vmul.f32 v17, v17;
	v23 =	vadd.f32 $1.000000000e+00, v23;
	(erf) = vrcp.f32 v21;
	v17 =	vpop (erf)  }
0x117: {  	v21 =	vmul.f32 $5.000000000e-01, v29;
	v13 =	vadd.f32 v13, v27;
	(erf) = vpow2.f32 v36;
	v27 =	vpop (erf)  }
0x118: {  	v29 =	vmul.f32 v11, v11;
	v17 =	vadd.f32 $1.000000000e+00, v17;
	(erf) = vrcp.f32 v25  }
0x119: {  	v11 =	vadd.f32 v21, v20;
	v20 =	vmul.f32 $5.000000000e-01, v27;
	(erf) = vrcp.f32 v26  }
.Ltmp1:
0x11a: {  	v26 =	vmul.f32 v12, v12;
	v21 =	vadd.f32 $1.809674800e-01, v13;
	v25 =	vpop (erf);
	(erf) = vrcp.f32 v23;
	(pc) =	sbr.rel @p0 .LBB2_4-.Ltmp1, $4  }
0x11b: {  	v13 =	vmul.f32 v16, v16;
	v20 =	vadd.f32 v20, v22;
	v16 =	vpop (erf);
	(erf) = vrcp.f32 v24  }
0x11c: {  	v22 =	vadd.f32 $1.809674800e-01, v11;
	v11 =	vmul.f32 v26, v6;
	v23 =	vmul.f32 $5.000000000e-01, v16;
	[tilespmem:s11+$0x30] =	vst v21;
	v12 =	vpop (erf)  }
0x11d: {  	v20 =	vadd.f32 $1.809674800e-01, v20;
	v16 =	vadd.f32 $1.000000000e+00, v12;
	v12 =	vmul.f32 v29, v6;
	v24 =	vpop (erf)  }
0x11e: {  	s11 =	sadd.s32 $0x100, s11;
	[tilespmem:s9+$0xFFFFFF80] =	vst v22;
	v21 =	vadd.f32 v23, v28;
	v23 =	vmul.f32 $5.000000000e-01, v25;
	v22 =	vmul.f32 $5.000000000e-01, v24  }
0x11f: {  	v7 =	vpop (erf)  }
0x120: {  	v24 =	vpop (erf)  }
0x121: {  	(erf) = vrcp.f32 v16;
	v24 =	vadd.f32 $1.000000000e+00, v24;
	_ =	sdelay $0x1  }
0x122: {  	v10 =	vmul.f32 v10, v6;
	(erf) = vrcp.f32 v24  }
0x123: {  	v13 =	vmul.f32 v13, v6;
	(erf) = vrcp.f32 v17  }
0x124: {  	v18 =	vmul.f32 v18, v6;
	v9 =	vmul.f32 v9, v6  }
0x125: {  	v14 =	vmul.f32 v14, v6;
	v7 =	vmul.f32 $5.000000000e-01, v7;
	v48 =	vpop (erf)  }
0x126: {  	v8 =	vmul.f32 v8, v8;
	v47 =	vadd.f32 v23, v19;
	v15 =	vadd.f32 v22, v15;
	v50 =	vpop (erf)  }
0x127: {  	v49 =	vadd.f32 $1.809674800e-01, v21;
	v7 =	vadd.f32 v7, v9;
	v51 =	vpop (erf);
	v21 =	vmul.f32 $5.000000000e-01, v50  }
0x128: {  	[tilespmem:s9+$0x70] =	vst v20;
	v6 =	vmul.f32 v8, v6;
	v15 =	vadd.f32 $1.809674800e-01, v15;
	v17 =	vmul.f32 $5.000000000e-01, v48;
	v52 =	vpop (erf)  }
0x129: {  	[tilespmem:s9+$0xFFFFFF90] =	vst v49;
	v55 =	vmul.f32 $5.000000000e-01, v51;
	v7 =	vadd.f32 $1.809674800e-01, v7;
	v54 =	vadd.f32 v21, v12;
	v56 =	vpop (erf)  }
0x12a: {  	v16 =	vadd.f32 $1.809674800e-01, v47;
	[tilespmem:s9+$0x20] =	vst v15;
	v53 =	vadd.f32 v17, v11;
	v59 =	vmul.f32 $5.000000000e-01, v56  }
0x12b: {  	v57 =	vmul.f32 $5.000000000e-01, v52;
	v12 =	vadd.f32 v55, v13;
	[tilespmem:s9+$0xFFFFFFC0] =	vst v7;
	v7 =	vadd.f32 $1.809674800e-01, v54;
	v58 =	vpop (erf)  }
0x12c: {  	[tilespmem:s9+$0xFFFFFFB0] =	vst v16;
	v9 =	vadd.f32 $1.809674800e-01, v53;
	v6 =	vadd.f32 v59, v6;
	v60 =	vpop (erf);
	v62 =	vmul.f32 $5.000000000e-01, v58  }
0x12d: {  	v10 =	vadd.f32 v57, v10;
	v61 =	vadd.f32 $1.809674800e-01, v12;
	[tilespmem:s9+$0xFFFFFFF0] =	vst v7;
	v8 =	vmul.f32 $5.000000000e-01, v60  }
0x12e: {  	[tilespmem:s9+$0x0] =	vst v9;
	v6 =	vadd.f32 $1.809674800e-01, v6;
	v63 =	vadd.f32 v62, v14  }
0x12f: {  	v7 =	vadd.f32 $1.809674800e-01, v10;
	[tilespmem:s9+$0x60] =	vst v61;
	v8 =	vadd.f32 v8, v18  }
0x130: {  	[tilespmem:s9+$0xFFFFFFE0] =	vst v6;
	v6 =	vadd.f32 $1.809674800e-01, v63  }
0x131: {  	s8 =	sadd.s32 $0x1, s8;
	[tilespmem:s9+$0x40] =	vst v7;
	v7 =	vadd.f32 $1.809674800e-01, v8  }
0x132: {  	p0 =	sne.s32 s8, s6;
	[tilespmem:s9+$0x50] =	vst v6  }
.Ltmp2:
0x133: {  	[tilespmem:s9+$0xFFFFFFD0] =	vst v7;
	(pc) =	sbr.rel @p0 .LBB2_1-.Ltmp2, $4  }
0x134: {  	[hbm4b:s5+s1] =	stream.linear.scatter [tilespmem:s1], [sflag:$0x1], $0x10000, $0x38;
	[tilespmem:$0x14000] =	vst v63  }
0x135: {  	_ =	swait.ge [sflag:s7], $0x10000  }
0x136: {  	[sflag:s7] =	ssyncset.done $0x0  }
0x137: {  	[sflag:s7] =	ssyncadd.s32 $0xFFFF0000  }
0x138: {  	_ =	sfence.sel $0x180000  }
0x139: {  	[bflag:$0x0] =	sbarrier.arrive $0xFFFF  }
0x13a: {  	p0 =	sne.s32 s2, $0x0;
	_ =	strace $0x9000004A  }
0x13b: {  	s0 =	sadd.s32 @!p0 $0x100000, s0;
	[bflag:$0x2] =	sbarrier.arrive $0xFFFF  }
0x13c: {  	[sflag:s0] =	ssyncadd.tile.s32 @!p0 $0x1;
	_ =	shalt  }
.Lfunc_end2:
_tile_overlayer_lowered:
.L_overlay_start_2:
0x13d: {  	(tag) =	ssettag $0x2  }
0x13e: {  	s0 =	rddreg [dreg:$0x0];
	s2 =	stileid.u32  }
0x13f: {  	s1 =	rddreg [dreg:$0x1];
	p0 =	sne.s32 s2, $0x0  }
0x140: {  	s3 =	rddreg [dreg:$0x2];
	[bflag:$0x3] =	sbarrier.arrive $0xFFFF;
	s2 =	simm.s32 @!p0 $0x1C01  }
0x141: {  	[timem:s3], [sflag:s2] =	dma.local @!p0 [hbm:s0], s1  }
0x142: {  	s0 =	simm.s32 @!p0 $0x1  }
0x143: {  	_ =	swait.ge @!p0 [sflag:s0], s1  }
0x144: {  	s1 =	ssub.s32 @!p0 $0x0, s1;
	[sflag:s0] =	ssyncset.done @!p0 $0x0  }
0x145: {  	[sflag:s0] =	ssyncadd.s32 @!p0 s1  }
0x146: {  	[bflag:$0x3] =	sbarrier.arrive $0xFFFF  }
0x147: {  	_ =	shalt  }

</sc_bundles>
